<compile_context>
chip_gen: v7x
topology: tpu7x:2x2x1
jax: 0.10.2.dev20260603
libtpu: 0.0.44.dev20260713+nightly
codegen_flags: <defaults>
</compile_context>

<pallas_src>
import functools

import jax
import jax.numpy as jnp
from jax import lax
from jax.experimental import pallas as pl
from jax.experimental.pallas import tpu as pltpu
from jax.experimental.pallas import tpu_sc as plsc

N_NODES = 10000
N_PAD = 10240
N_EDGES = 320000
D_FEAT = 128
GAM = 0.1
LAM = 1.0
ALP = 0.5

NC = 2
NS = 16
NW = NC * NS
FPW = D_FEAT // NW
SLAB = FPW * N_NODES
PSLAB = FPW * N_PAD
CH = 3200
NCH = N_EDGES // CH


def _pack_body(ei_ref, em_ref, x_ref, packed_ref, ms_ref, l1_ref, en_ref,
               xt_ref):
    em = em_ref[...]
    ms = jax.nn.sigmoid(em)
    keep = (em > 0.0).astype(jnp.int32)
    dstp = ei_ref[1, :] + keep * PSLAB
    packed_ref[...] = ei_ref[0, :] + dstp * 16384
    ms_ref[...] = ms
    l1_ref[...] = jnp.sum(ms)[None, None]
    en_ref[...] = jnp.sum(keep)[None, None]
    xt_ref[:, pl.ds(0, N_NODES)] = jnp.swapaxes(x_ref[...], 0, 1)


def _pack(edge_index, edge_mask, x):
    return pl.pallas_call(
        _pack_body,
        out_shape=(
            jax.ShapeDtypeStruct((N_EDGES,), jnp.int32),
            jax.ShapeDtypeStruct((N_EDGES,), jnp.float32),
            jax.ShapeDtypeStruct((1, 1), jnp.float32),
            jax.ShapeDtypeStruct((1, 1), jnp.int32),
            jax.ShapeDtypeStruct((D_FEAT, N_PAD), jnp.float32),
        ),
    )(edge_index, edge_mask, x)


def _sc_body(packed_hbm, xflat_hbm, agg1_hbm, agg2_hbm,
             xv, accv, eb0, eb1, sem0, sem1):
    w = lax.axis_index("s") * NC + lax.axis_index("c")

    pltpu.async_copy(packed_hbm.at[pl.ds(0, CH)], eb0, sem0)

    pltpu.sync_copy(xflat_hbm.at[pl.ds(w * FPW, FPW), :], xv)

    @plsc.parallel_loop(0, 2 * PSLAB, step=16, unroll=8)
    def _(i):
        accv[pl.ds(i, 16)] = jnp.zeros((16,), jnp.float32)

    def process(eb):
        @plsc.parallel_loop(0, CH, step=16, unroll=8)
        def _(i):
            p = eb[pl.ds(i, 16)]
            srci = lax.bitwise_and(p, 16383)
            dbase = lax.shift_right_logical(p, 14)
            for j in range(FPW):
                jv = jnp.full((16,), j, jnp.int32)
                v = plsc.load_gather(xv, [jv, srci])
                plsc.addupdate_scatter(accv, [dbase + (j * N_PAD)], v)

    def pair(cc, _):
        c0 = cc * 2
        pltpu.async_copy(packed_hbm.at[pl.ds((c0 + 1) * CH, CH)], eb1, sem1)
        pltpu.make_async_copy(packed_hbm.at[pl.ds(c0 * CH, CH)], eb0, sem0).wait()
        process(eb0)
        nxt = jnp.minimum(c0 + 2, NCH - 2)
        pltpu.async_copy(packed_hbm.at[pl.ds(nxt * CH, CH)], eb0, sem0)
        pltpu.make_async_copy(packed_hbm.at[pl.ds((c0 + 1) * CH, CH)], eb1, sem1).wait()
        process(eb1)
        return 0

    lax.fori_loop(0, NCH // 2, pair, 0)
    pltpu.make_async_copy(packed_hbm.at[pl.ds(0, CH)], eb0, sem0).wait()

    base = w * PSLAB
    c1 = pltpu.async_copy(accv.at[pl.ds(0, PSLAB)], agg1_hbm.at[pl.ds(base, PSLAB)], sem0)
    c2 = pltpu.async_copy(accv.at[pl.ds(PSLAB, PSLAB)], agg2_hbm.at[pl.ds(base, PSLAB)], sem1)
    c1.wait()
    c2.wait()


def _sc_scatter(packed_flat, xt):
    mesh = plsc.VectorSubcoreMesh(
        core_axis_name="c", subcore_axis_name="s",
        num_cores=NC, num_subcores=NS)
    f = functools.partial(
        pl.kernel,
        out_type=(
            jax.ShapeDtypeStruct((D_FEAT * N_PAD,), jnp.float32),
            jax.ShapeDtypeStruct((D_FEAT * N_PAD,), jnp.float32),
        ),
        mesh=mesh,
        compiler_params=pltpu.CompilerParams(needs_layout_passes=False),
        scratch_types=[
            pltpu.VMEM((FPW, N_PAD), jnp.float32),
            pltpu.VMEM((2 * PSLAB,), jnp.float32),
            pltpu.VMEM((CH,), jnp.int32),
            pltpu.VMEM((CH,), jnp.int32),
            pltpu.SemaphoreType.DMA,
            pltpu.SemaphoreType.DMA,
        ],
    )(_sc_body)
    return f(packed_flat, xt)


def _head_body(a1_ref, a2_ref, w1t_ref, b1_ref, w2_ref, l1_ref, loss_ref):
    w1t = w1t_ref[...]
    b1 = b1_ref[...]
    w2 = w2_ref[...]
    valid = lax.broadcasted_iota(jnp.int32, (1, N_PAD), 1) < N_NODES
    h1 = jnp.maximum(
        jnp.dot(w1t, a1_ref[...], preferred_element_type=jnp.float32) + b1, 0.0)
    h2 = jnp.maximum(
        jnp.dot(w1t, a2_ref[...], preferred_element_type=jnp.float32) + b1, 0.0)
    s1 = jnp.sum(jnp.where(valid, h1 * w2, 0.0))
    s2 = jnp.sum(jnp.where(valid, h2 * w2, 0.0))
    pred1 = jax.nn.sigmoid(s1 / N_NODES)
    pred2 = jax.nn.sigmoid(s2 / N_NODES)
    bpr1 = jnp.maximum(GAM + 0.5 - pred1, 0.0)
    bpr2 = jnp.maximum(GAM + pred2 - 0.5, 0.0)
    loss_ref[...] = l1_ref[...] + LAM * (ALP * bpr1 + (1.0 - ALP) * bpr2)


def _head(a1, a2, w1t, b1c, w2c, l1):
    return pl.pallas_call(
        _head_body,
        out_shape=jax.ShapeDtypeStruct((1, 1), jnp.float32),
    )(a1, a2, w1t, b1c, w2c, l1)


def kernel(x, edge_mask, W1, b1, w2, edge_index):
    packed, ms, l1, expn, xt = _pack(edge_index, edge_mask, x)

    agg1f, agg2f = _sc_scatter(packed, xt)

    loss = _head(agg1f.reshape(D_FEAT, N_PAD), agg2f.reshape(D_FEAT, N_PAD),
                 W1.T, b1.reshape(D_FEAT, 1), w2.reshape(D_FEAT, 1), l1)
    return loss[0, 0], ms, expn[0, 0]

# --- scband reference (transcript-rebuilt; emitter-appended) ---
"""Pipeline reference for scband-graph-explainer-edge-30210799960522 (READ-ONLY COPY).

The authoritative reference and input builder live on the scoring server;
editing this copy changes nothing except your own understanding.
"""

import jax, jax.numpy as jnp
import numpy as np

N_NODES = 10000
N_EDGES = 320000
D_FEAT = 128
MASK_THRESH = 0.5
GAM = 0.1
LAM = 1.0
ALP = 0.5


def setup_inputs(seed: int = 0) -> dict:
    key = jax.random.key(seed)
    k1, k2, k3, k4, k5 = jax.random.split(key, 5)
    x = jax.random.normal(k1, (N_NODES, D_FEAT), dtype=jnp.float32)
    edge_mask = jax.random.normal(k2, (N_EDGES,), dtype=jnp.float32)
    edge_index = jax.random.randint(k3, (2, N_EDGES), 0, N_NODES, dtype=jnp.int32)
    W1 = jax.random.normal(k4, (D_FEAT, D_FEAT), dtype=jnp.float32) * 0.05
    b1 = jnp.zeros((D_FEAT,), dtype=jnp.float32)
    w2 = jax.random.normal(k5, (D_FEAT,), dtype=jnp.float32) * 0.05
    return {"x": x, "edge_mask": edge_mask, "W1": W1, "b1": b1, "w2": w2, "edge_index": edge_index}


def _base_model(x, edge_index, edge_keep, W1, b1, w2):
    # Simple sum-aggregation GCN classifier standing in for self.base_model.
    # Multiplying messages by the 0/1 edge_keep indicator is mathematically
    # identical to removing the masked-out edges from edge_index (as done by
    # _mask_edge_index) under sum aggregation, but keeps static shapes.
    src = edge_index[0]
    dst = edge_index[1]
    msg = jnp.take(x, src, axis=0) * edge_keep[:, None]
    agg = jax.ops.segment_sum(msg, dst, num_segments=N_NODES)
    h = jax.nn.relu(agg @ W1 + b1)
    g = jnp.mean(h, axis=0)
    return jax.nn.sigmoid(jnp.dot(g, w2))


def reference(x, edge_mask, W1, b1, w2, edge_index):
    # One explain() optimization-step objective (the core computation of
    # GraphExplainerEdge.explain for a single epoch).
    mask_sigmoid = jax.nn.sigmoid(edge_mask)
    keep = (mask_sigmoid > MASK_THRESH).astype(x.dtype)       # factual edges
    pred1 = _base_model(x, edge_index, keep, W1, b1, w2)       # masked graph
    pred2 = _base_model(x, edge_index, 1.0 - keep, W1, b1, w2) # counterfactual graph
    bpr1 = jax.nn.relu(GAM + 0.5 - pred1)
    bpr2 = jax.nn.relu(GAM + pred2 - 0.5)
    l1 = jnp.sum(jnp.abs(mask_sigmoid))  # torch.norm(mask_sigmoid, p=1)
    loss = l1 + LAM * (ALP * bpr1 + (1.0 - ALP) * bpr2)
    exp_num = jnp.sum((mask_sigmoid > MASK_THRESH).astype(jnp.int32))
    return loss, mask_sigmoid, exp_num

if __name__ == "__main__":
    import jax
    _d = setup_inputs()
    print(jax.jit(kernel)(*tuple(_d.values())))

</pallas_src>

<mosaic_0001>
#map = affine_map<(d0, d1) -> (0)>
#map1 = affine_map<(d0, d1) -> (0, 0)>
module attributes {stable_mosaic.version = 14 : i64} {
  func.func @_sc_body(%arg0: i32, %arg1: i32, %arg2: memref<320000xi32, #tpu.memory_space<hbm>>, %arg3: memref<128x10240xf32, #tpu.memory_space<hbm>>, %arg4: memref<1310720xf32, #tpu.memory_space<hbm>>, %arg5: memref<1310720xf32, #tpu.memory_space<hbm>>, %arg6: memref<4x10240xf32, #tpu.memory_space<vmem>>, %arg7: memref<81920xf32, #tpu.memory_space<vmem>>, %arg8: memref<3200xi32, #tpu.memory_space<vmem>>, %arg9: memref<3200xi32, #tpu.memory_space<vmem>>, %arg10: memref<!tpu.dma_semaphore, #tpu.memory_space<semaphore_mem>>, %arg11: memref<!tpu.dma_semaphore, #tpu.memory_space<semaphore_mem>>) attributes {dimension_semantics = [#tpu.dimension_semantics<core_parallel>, #tpu.dimension_semantics<subcore_parallel>], iteration_bounds = array<i64: 2, 16>, scalar_prefetch = 0 : i64, scratch_operands = 6 : i64, tpu.core_type = #tpu.core_type<sc_vector_subcore>, window_params = [{transform_indices = #map}, {transform_indices = #map1}, {transform_indices = #map}, {transform_indices = #map}]} {
    %mul3A = arith.constant 2 : i32
    %mul3A_0 = arith.muli %arg1, %mul3A : i32
    %add3A = arith.addi %mul3A_0, %arg0 : i32
    %dma_start3A = arith.constant 0 : i32
    %dma_start3A_1 = tpu.memref_slice %arg2[%dma_start3A] : memref<320000xi32, #tpu.memory_space<hbm>> -> memref<3200xi32, #tpu.memory_space<hbm>>
    %dma_start3A_2 = arith.constant 0 : i32
    %dma_start3A_3 = tpu.memref_slice %arg2[%dma_start3A_2] : memref<320000xi32, #tpu.memory_space<hbm>> -> memref<3200xi32, #tpu.memory_space<hbm>>
    tpu.enqueue_dma source(%dma_start3A_3 : memref<3200xi32, #tpu.memory_space<hbm>>) target(%arg8 : memref<3200xi32, #tpu.memory_space<vmem>>) target_semaphore(%arg10 : memref<!tpu.dma_semaphore, #tpu.memory_space<semaphore_mem>>)
    %mul3A_4 = arith.constant 4 : i32
    %mul3A_5 = arith.muli %add3A, %mul3A_4 : i32
    "tpu.region"() ({
      %run_scoped3A = tpu.sem_alloc : memref<!tpu.dma_semaphore, #tpu.memory_space<semaphore_mem>>
      %dma_start3A_43 = arith.constant 0 : i32
      %dma_start3A_44 = tpu.memref_slice %arg3[%mul3A_5, %dma_start3A_43] : memref<128x10240xf32, #tpu.memory_space<hbm>> -> memref<4x10240xf32, #tpu.memory_space<hbm>>
      %dma_start3A_45 = arith.constant 0 : i32
      %dma_start3A_46 = tpu.memref_slice %arg3[%mul3A_5, %dma_start3A_45] : memref<128x10240xf32, #tpu.memory_space<hbm>> -> memref<4x10240xf32, #tpu.memory_space<hbm>>
      tpu.enqueue_dma source(%dma_start3A_46 : memref<4x10240xf32, #tpu.memory_space<hbm>>) target(%arg6 : memref<4x10240xf32, #tpu.memory_space<vmem>>) target_semaphore(%run_scoped3A : memref<!tpu.dma_semaphore, #tpu.memory_space<semaphore_mem>>)
      %dma_wait3A_47 = arith.constant 0 : i32
      %dma_wait3A_48 = tpu.memref_slice %arg3[%mul3A_5, %dma_wait3A_47] : memref<128x10240xf32, #tpu.memory_space<hbm>> -> memref<4x10240xf32, #tpu.memory_space<hbm>>
      %dma_wait3A_49 = arith.constant 0 : i32
      %dma_wait3A_50 = tpu.memref_slice %arg3[%mul3A_5, %dma_wait3A_49] : memref<128x10240xf32, #tpu.memory_space<hbm>> -> memref<4x10240xf32, #tpu.memory_space<hbm>>
      tpu.wait_dma2 semaphore(%run_scoped3A : memref<!tpu.dma_semaphore, #tpu.memory_space<semaphore_mem>>) src(%dma_wait3A_50 : memref<4x10240xf32, #tpu.memory_space<hbm>>) dst(%arg6 : memref<4x10240xf32, #tpu.memory_space<vmem>>)
      tpu.yield
    }) : () -> ()
    %parallel_loop3A = arith.constant 0 : i32
    %parallel_loop3A_6 = arith.constant 81920 : i32
    %parallel_loop3A_7 = arith.constant 16 : i32
    scf.for %parallel_loop3A_43 = %parallel_loop3A to %parallel_loop3A_6 step %parallel_loop3A_7  : i32 {
      %parallel_loop3A_44 = arith.constant 0.000000e+00 : f32
      %parallel_loop3A_45 = vector.broadcast %parallel_loop3A_44 : f32 to vector<16xf32>
      %parallel_loop3A_46 = arith.index_cast %parallel_loop3A_43 : i32 to index
      %parallel_loop3A_47 = tpu.vector_load %arg7[%parallel_loop3A_46] {strides = array<i32>} : memref<81920xf32, #tpu.memory_space<vmem>>, vector<16xf32>,
      tpu.vector_store %arg7[%parallel_loop3A_46], %parallel_loop3A_45 {strides = array<i32>} : memref<81920xf32, #tpu.memory_space<vmem>>, vector<16xf32>,
    } {sc.loop_unroll_factor = 8 : i64, sc.parallel_access}
    %scan3A = arith.constant 0 : i32
    %scan3A_8 = arith.constant 0 : i32
    %scan3A_9 = arith.constant 50 : i32
    %scan3A_10 = arith.addi %scan3A_8, %scan3A_9 : i32
    %scan3A_11 = arith.constant 1 : i32
    %scan3A_12 = scf.for %scan3A_43 = %scan3A_8 to %scan3A_10 step %scan3A_11 iter_args(%scan3A_44 = %scan3A) -> (i32)  : i32 {
      %mul3A_45 = arith.constant 2 : i32
      %mul3A_46 = arith.muli %scan3A_43, %mul3A_45 : i32
      %add3A_47 = arith.constant 1 : i32
      %add3A_48 = arith.addi %mul3A_46, %add3A_47 : i32
      %mul3A_49 = arith.constant 3200 : i32
      %mul3A_50 = arith.muli %add3A_48, %mul3A_49 : i32
      %dma_start3A_51 = tpu.memref_slice %arg2[%mul3A_50] : memref<320000xi32, #tpu.memory_space<hbm>> -> memref<3200xi32, #tpu.memory_space<hbm>>
      %dma_start3A_52 = tpu.memref_slice %arg2[%mul3A_50] : memref<320000xi32, #tpu.memory_space<hbm>> -> memref<3200xi32, #tpu.memory_space<hbm>>
      tpu.enqueue_dma source(%dma_start3A_52 : memref<3200xi32, #tpu.memory_space<hbm>>) target(%arg9 : memref<3200xi32, #tpu.memory_space<vmem>>) target_semaphore(%arg11 : memref<!tpu.dma_semaphore, #tpu.memory_space<semaphore_mem>>)
      %mul3A_53 = arith.constant 3200 : i32
      %mul3A_54 = arith.muli %mul3A_46, %mul3A_53 : i32
      %dma_wait3A_55 = tpu.memref_slice %arg2[%mul3A_54] : memref<320000xi32, #tpu.memory_space<hbm>> -> memref<3200xi32, #tpu.memory_space<hbm>>
      %dma_wait3A_56 = tpu.memref_slice %arg2[%mul3A_54] : memref<320000xi32, #tpu.memory_space<hbm>> -> memref<3200xi32, #tpu.memory_space<hbm>>
      tpu.wait_dma2 semaphore(%arg10 : memref<!tpu.dma_semaphore, #tpu.memory_space<semaphore_mem>>) src(%dma_wait3A_56 : memref<3200xi32, #tpu.memory_space<hbm>>) dst(%arg8 : memref<3200xi32, #tpu.memory_space<vmem>>)
      %parallel_loop3A_57 = arith.constant 0 : i32
      %parallel_loop3A_58 = arith.constant 3200 : i32
      %parallel_loop3A_59 = arith.constant 16 : i32
      scf.for %parallel_loop3A_77 = %parallel_loop3A_57 to %parallel_loop3A_58 step %parallel_loop3A_59  : i32 {
        %parallel_loop3A_78 = arith.index_cast %parallel_loop3A_77 : i32 to index
        %parallel_loop3A_79 = tpu.vector_load %arg8[%parallel_loop3A_78] {strides = array<i32>} : memref<3200xi32, #tpu.memory_space<vmem>>, vector<16xi32>,
        %parallel_loop3A_80 = arith.constant 16383 : i32
        %parallel_loop3A_81 = vector.broadcast %parallel_loop3A_80 : i32 to vector<16xi32>
        %parallel_loop3A_82 = arith.andi %parallel_loop3A_79, %parallel_loop3A_81 : vector<16xi32>
        %parallel_loop3A_83 = arith.constant 14 : i32
        %parallel_loop3A_84 = vector.broadcast %parallel_loop3A_83 : i32 to vector<16xi32>
        %parallel_loop3A_85 = arith.shrui %parallel_loop3A_79, %parallel_loop3A_84 : vector<16xi32>
        %parallel_loop3A_86 = arith.constant 0 : i32
        %parallel_loop3A_87 = vector.broadcast %parallel_loop3A_86 : i32 to vector<16xi32>
        %parallel_loop3A_88 = tpu.vector_load_idx %arg6[%parallel_loop3A_87, %parallel_loop3A_82] : memref<4x10240xf32, #tpu.memory_space<vmem>>[vector<16xi32>, vector<16xi32>], vector<16xf32>,
        %parallel_loop3A_89 = arith.constant 0 : i32
        %parallel_loop3A_90 = vector.broadcast %parallel_loop3A_89 : i32 to vector<16xi32>
        %parallel_loop3A_91 = arith.addi %parallel_loop3A_85, %parallel_loop3A_90 : vector<16xi32>
        tpu.vector_store_idx %arg7[%parallel_loop3A_91], %parallel_loop3A_88 {add = true} : memref<81920xf32, #tpu.memory_space<vmem>>[vector<16xi32>], vector<16xf32>,
        %parallel_loop3A_92 = arith.constant 1 : i32
        %parallel_loop3A_93 = vector.broadcast %parallel_loop3A_92 : i32 to vector<16xi32>
        %parallel_loop3A_94 = tpu.vector_load_idx %arg6[%parallel_loop3A_93, %parallel_loop3A_82] : memref<4x10240xf32, #tpu.memory_space<vmem>>[vector<16xi32>, vector<16xi32>], vector<16xf32>,
        %parallel_loop3A_95 = arith.constant 10240 : i32
        %parallel_loop3A_96 = vector.broadcast %parallel_loop3A_95 : i32 to vector<16xi32>
        %parallel_loop3A_97 = arith.addi %parallel_loop3A_85, %parallel_loop3A_96 : vector<16xi32>
        tpu.vector_store_idx %arg7[%parallel_loop3A_97], %parallel_loop3A_94 {add = true} : memref<81920xf32, #tpu.memory_space<vmem>>[vector<16xi32>], vector<16xf32>,
        %parallel_loop3A_98 = arith.constant 2 : i32
        %parallel_loop3A_99 = vector.broadcast %parallel_loop3A_98 : i32 to vector<16xi32>
        %parallel_loop3A_100 = tpu.vector_load_idx %arg6[%parallel_loop3A_99, %parallel_loop3A_82] : memref<4x10240xf32, #tpu.memory_space<vmem>>[vector<16xi32>, vector<16xi32>], vector<16xf32>,
        %parallel_loop3A_101 = arith.constant 20480 : i32
        %parallel_loop3A_102 = vector.broadcast %parallel_loop3A_101 : i32 to vector<16xi32>
        %parallel_loop3A_103 = arith.addi %parallel_loop3A_85, %parallel_loop3A_102 : vector<16xi32>
        tpu.vector_store_idx %arg7[%parallel_loop3A_103], %parallel_loop3A_100 {add = true} : memref<81920xf32, #tpu.memory_space<vmem>>[vector<16xi32>], vector<16xf32>,
        %parallel_loop3A_104 = arith.constant 3 : i32
        %parallel_loop3A_105 = vector.broadcast %parallel_loop3A_104 : i32 to vector<16xi32>
        %parallel_loop3A_106 = tpu.vector_load_idx %arg6[%parallel_loop3A_105, %parallel_loop3A_82] : memref<4x10240xf32, #tpu.memory_space<vmem>>[vector<16xi32>, vector<16xi32>], vector<16xf32>,
        %parallel_loop3A_107 = arith.constant 30720 : i32
        %parallel_loop3A_108 = vector.broadcast %parallel_loop3A_107 : i32 to vector<16xi32>
        %parallel_loop3A_109 = arith.addi %parallel_loop3A_85, %parallel_loop3A_108 : vector<16xi32>
        tpu.vector_store_idx %arg7[%parallel_loop3A_109], %parallel_loop3A_106 {add = true} : memref<81920xf32, #tpu.memory_space<vmem>>[vector<16xi32>], vector<16xf32>,
      } {sc.loop_unroll_factor = 8 : i64, sc.parallel_access}
      %add3A_60 = arith.constant 2 : i32
      %add3A_61 = arith.addi %mul3A_46, %add3A_60 : i32
      %min3A = arith.constant 98 : i32
      %min3A_62 = arith.minsi %add3A_61, %min3A : i32
      %mul3A_63 = arith.constant 3200 : i32
      %mul3A_64 = arith.muli %min3A_62, %mul3A_63 : i32
      %dma_start3A_65 = tpu.memref_slice %arg2[%mul3A_64] : memref<320000xi32, #tpu.memory_space<hbm>> -> memref<3200xi32, #tpu.memory_space<hbm>>
      %dma_start3A_66 = tpu.memref_slice %arg2[%mul3A_64] : memref<320000xi32, #tpu.memory_space<hbm>> -> memref<3200xi32, #tpu.memory_space<hbm>>
      tpu.enqueue_dma source(%dma_start3A_66 : memref<3200xi32, #tpu.memory_space<hbm>>) target(%arg8 : memref<3200xi32, #tpu.memory_space<vmem>>) target_semaphore(%arg10 : memref<!tpu.dma_semaphore, #tpu.memory_space<semaphore_mem>>)
      %add3A_67 = arith.constant 1 : i32
      %add3A_68 = arith.addi %mul3A_46, %add3A_67 : i32
      %mul3A_69 = arith.constant 3200 : i32
      %mul3A_70 = arith.muli %add3A_68, %mul3A_69 : i32
      %dma_wait3A_71 = tpu.memref_slice %arg2[%mul3A_70] : memref<320000xi32, #tpu.memory_space<hbm>> -> memref<3200xi32, #tpu.memory_space<hbm>>
      %dma_wait3A_72 = tpu.memref_slice %arg2[%mul3A_70] : memref<320000xi32, #tpu.memory_space<hbm>> -> memref<3200xi32, #tpu.memory_space<hbm>>
      tpu.wait_dma2 semaphore(%arg11 : memref<!tpu.dma_semaphore, #tpu.memory_space<semaphore_mem>>) src(%dma_wait3A_72 : memref<3200xi32, #tpu.memory_space<hbm>>) dst(%arg9 : memref<3200xi32, #tpu.memory_space<vmem>>)
      %parallel_loop3A_73 = arith.constant 0 : i32
      %parallel_loop3A_74 = arith.constant 3200 : i32
      %parallel_loop3A_75 = arith.constant 16 : i32
      scf.for %parallel_loop3A_77 = %parallel_loop3A_73 to %parallel_loop3A_74 step %parallel_loop3A_75  : i32 {
        %parallel_loop3A_78 = arith.index_cast %parallel_loop3A_77 : i32 to index
        %parallel_loop3A_79 = tpu.vector_load %arg9[%parallel_loop3A_78] {strides = array<i32>} : memref<3200xi32, #tpu.memory_space<vmem>>, vector<16xi32>,
        %parallel_loop3A_80 = arith.constant 16383 : i32
        %parallel_loop3A_81 = vector.broadcast %parallel_loop3A_80 : i32 to vector<16xi32>
        %parallel_loop3A_82 = arith.andi %parallel_loop3A_79, %parallel_loop3A_81 : vector<16xi32>
        %parallel_loop3A_83 = arith.constant 14 : i32
        %parallel_loop3A_84 = vector.broadcast %parallel_loop3A_83 : i32 to vector<16xi32>
        %parallel_loop3A_85 = arith.shrui %parallel_loop3A_79, %parallel_loop3A_84 : vector<16xi32>
        %parallel_loop3A_86 = arith.constant 0 : i32
        %parallel_loop3A_87 = vector.broadcast %parallel_loop3A_86 : i32 to vector<16xi32>
        %parallel_loop3A_88 = tpu.vector_load_idx %arg6[%parallel_loop3A_87, %parallel_loop3A_82] : memref<4x10240xf32, #tpu.memory_space<vmem>>[vector<16xi32>, vector<16xi32>], vector<16xf32>,
        %parallel_loop3A_89 = arith.constant 0 : i32
        %parallel_loop3A_90 = vector.broadcast %parallel_loop3A_89 : i32 to vector<16xi32>
        %parallel_loop3A_91 = arith.addi %parallel_loop3A_85, %parallel_loop3A_90 : vector<16xi32>
        tpu.vector_store_idx %arg7[%parallel_loop3A_91], %parallel_loop3A_88 {add = true} : memref<81920xf32, #tpu.memory_space<vmem>>[vector<16xi32>], vector<16xf32>,
        %parallel_loop3A_92 = arith.constant 1 : i32
        %parallel_loop3A_93 = vector.broadcast %parallel_loop3A_92 : i32 to vector<16xi32>
        %parallel_loop3A_94 = tpu.vector_load_idx %arg6[%parallel_loop3A_93, %parallel_loop3A_82] : memref<4x10240xf32, #tpu.memory_space<vmem>>[vector<16xi32>, vector<16xi32>], vector<16xf32>,
        %parallel_loop3A_95 = arith.constant 10240 : i32
        %parallel_loop3A_96 = vector.broadcast %parallel_loop3A_95 : i32 to vector<16xi32>
        %parallel_loop3A_97 = arith.addi %parallel_loop3A_85, %parallel_loop3A_96 : vector<16xi32>
        tpu.vector_store_idx %arg7[%parallel_loop3A_97], %parallel_loop3A_94 {add = true} : memref<81920xf32, #tpu.memory_space<vmem>>[vector<16xi32>], vector<16xf32>,
        %parallel_loop3A_98 = arith.constant 2 : i32
        %parallel_loop3A_99 = vector.broadcast %parallel_loop3A_98 : i32 to vector<16xi32>
        %parallel_loop3A_100 = tpu.vector_load_idx %arg6[%parallel_loop3A_99, %parallel_loop3A_82] : memref<4x10240xf32, #tpu.memory_space<vmem>>[vector<16xi32>, vector<16xi32>], vector<16xf32>,
        %parallel_loop3A_101 = arith.constant 20480 : i32
        %parallel_loop3A_102 = vector.broadcast %parallel_loop3A_101 : i32 to vector<16xi32>
        %parallel_loop3A_103 = arith.addi %parallel_loop3A_85, %parallel_loop3A_102 : vector<16xi32>
        tpu.vector_store_idx %arg7[%parallel_loop3A_103], %parallel_loop3A_100 {add = true} : memref<81920xf32, #tpu.memory_space<vmem>>[vector<16xi32>], vector<16xf32>,
        %parallel_loop3A_104 = arith.constant 3 : i32
        %parallel_loop3A_105 = vector.broadcast %parallel_loop3A_104 : i32 to vector<16xi32>
        %parallel_loop3A_106 = tpu.vector_load_idx %arg6[%parallel_loop3A_105, %parallel_loop3A_82] : memref<4x10240xf32, #tpu.memory_space<vmem>>[vector<16xi32>, vector<16xi32>], vector<16xf32>,
        %parallel_loop3A_107 = arith.constant 30720 : i32
        %parallel_loop3A_108 = vector.broadcast %parallel_loop3A_107 : i32 to vector<16xi32>
        %parallel_loop3A_109 = arith.addi %parallel_loop3A_85, %parallel_loop3A_108 : vector<16xi32>
        tpu.vector_store_idx %arg7[%parallel_loop3A_109], %parallel_loop3A_106 {add = true} : memref<81920xf32, #tpu.memory_space<vmem>>[vector<16xi32>], vector<16xf32>,
      } {sc.loop_unroll_factor = 8 : i64, sc.parallel_access}
      %scan3A_76 = arith.constant 0 : i32
      scf.yield %scan3A_76 : i32
    }
    %scan3A_13 = arith.constant 50 : i32
    %dma_wait3A = arith.constant 0 : i32
    %dma_wait3A_14 = tpu.memref_slice %arg2[%dma_wait3A] : memref<320000xi32, #tpu.memory_space<hbm>> -> memref<3200xi32, #tpu.memory_space<hbm>>
    %dma_wait3A_15 = arith.constant 0 : i32
    %dma_wait3A_16 = tpu.memref_slice %arg2[%dma_wait3A_15] : memref<320000xi32, #tpu.memory_space<hbm>> -> memref<3200xi32, #tpu.memory_space<hbm>>
    tpu.wait_dma2 semaphore(%arg10 : memref<!tpu.dma_semaphore, #tpu.memory_space<semaphore_mem>>) src(%dma_wait3A_16 : memref<3200xi32, #tpu.memory_space<hbm>>) dst(%arg8 : memref<3200xi32, #tpu.memory_space<vmem>>)
    %mul3A_17 = arith.constant 40960 : i32
    %mul3A_18 = arith.muli %add3A, %mul3A_17 : i32
    %dma_start3A_19 = arith.constant 0 : i32
    %dma_start3A_20 = tpu.memref_slice %arg7[%dma_start3A_19] : memref<81920xf32, #tpu.memory_space<vmem>> -> memref<40960xf32, #tpu.memory_space<vmem>>
    %dma_start3A_21 = tpu.memref_slice %arg4[%mul3A_18] : memref<1310720xf32, #tpu.memory_space<hbm>> -> memref<40960xf32, #tpu.memory_space<hbm>>
    %dma_start3A_22 = tpu.memref_slice %arg4[%mul3A_18] : memref<1310720xf32, #tpu.memory_space<hbm>> -> memref<40960xf32, #tpu.memory_space<hbm>>
    %dma_start3A_23 = arith.constant 0 : i32
    %dma_start3A_24 = tpu.memref_slice %arg7[%dma_start3A_23] : memref<81920xf32, #tpu.memory_space<vmem>> -> memref<40960xf32, #tpu.memory_space<vmem>>
    tpu.enqueue_dma source(%dma_start3A_24 : memref<40960xf32, #tpu.memory_space<vmem>>) target(%dma_start3A_22 : memref<40960xf32, #tpu.memory_space<hbm>>) target_semaphore(%arg10 : memref<!tpu.dma_semaphore, #tpu.memory_space<semaphore_mem>>)
    %dma_start3A_25 = arith.constant 40960 : i32
    %dma_start3A_26 = tpu.memref_slice %arg7[%dma_start3A_25] : memref<81920xf32, #tpu.memory_space<vmem>> -> memref<40960xf32, #tpu.memory_space<vmem>>
    %dma_start3A_27 = tpu.memref_slice %arg5[%mul3A_18] : memref<1310720xf32, #tpu.memory_space<hbm>> -> memref<40960xf32, #tpu.memory_space<hbm>>
    %dma_start3A_28 = tpu.memref_slice %arg5[%mul3A_18] : memref<1310720xf32, #tpu.memory_space<hbm>> -> memref<40960xf32, #tpu.memory_space<hbm>>
    %dma_start3A_29 = arith.constant 40960 : i32
    %dma_start3A_30 = tpu.memref_slice %arg7[%dma_start3A_29] : memref<81920xf32, #tpu.memory_space<vmem>> -> memref<40960xf32, #tpu.memory_space<vmem>>
    tpu.enqueue_dma source(%dma_start3A_30 : memref<40960xf32, #tpu.memory_space<vmem>>) target(%dma_start3A_28 : memref<40960xf32, #tpu.memory_space<hbm>>) target_semaphore(%arg11 : memref<!tpu.dma_semaphore, #tpu.memory_space<semaphore_mem>>)
    %dma_wait3A_31 = arith.constant 0 : i32
    %dma_wait3A_32 = tpu.memref_slice %arg7[%dma_wait3A_31] : memref<81920xf32, #tpu.memory_space<vmem>> -> memref<40960xf32, #tpu.memory_space<vmem>>
    %dma_wait3A_33 = tpu.memref_slice %arg4[%mul3A_18] : memref<1310720xf32, #tpu.memory_space<hbm>> -> memref<40960xf32, #tpu.memory_space<hbm>>
    %dma_wait3A_34 = tpu.memref_slice %arg4[%mul3A_18] : memref<1310720xf32, #tpu.memory_space<hbm>> -> memref<40960xf32, #tpu.memory_space<hbm>>
    %dma_wait3A_35 = arith.constant 0 : i32
    %dma_wait3A_36 = tpu.memref_slice %arg7[%dma_wait3A_35] : memref<81920xf32, #tpu.memory_space<vmem>> -> memref<40960xf32, #tpu.memory_space<vmem>>
    tpu.wait_dma2 semaphore(%arg10 : memref<!tpu.dma_semaphore, #tpu.memory_space<semaphore_mem>>) src(%dma_wait3A_36 : memref<40960xf32, #tpu.memory_space<vmem>>) dst(%dma_wait3A_34 : memref<40960xf32, #tpu.memory_space<hbm>>)
    %dma_wait3A_37 = arith.constant 40960 : i32
    %dma_wait3A_38 = tpu.memref_slice %arg7[%dma_wait3A_37] : memref<81920xf32, #tpu.memory_space<vmem>> -> memref<40960xf32, #tpu.memory_space<vmem>>
    %dma_wait3A_39 = tpu.memref_slice %arg5[%mul3A_18] : memref<1310720xf32, #tpu.memory_space<hbm>> -> memref<40960xf32, #tpu.memory_space<hbm>>
    %dma_wait3A_40 = tpu.memref_slice %arg5[%mul3A_18] : memref<1310720xf32, #tpu.memory_space<hbm>> -> memref<40960xf32, #tpu.memory_space<hbm>>
    %dma_wait3A_41 = arith.constant 40960 : i32
    %dma_wait3A_42 = tpu.memref_slice %arg7[%dma_wait3A_41] : memref<81920xf32, #tpu.memory_space<vmem>> -> memref<40960xf32, #tpu.memory_space<vmem>>
    tpu.wait_dma2 semaphore(%arg11 : memref<!tpu.dma_semaphore, #tpu.memory_space<semaphore_mem>>) src(%dma_wait3A_42 : memref<40960xf32, #tpu.memory_space<vmem>>) dst(%dma_wait3A_40 : memref<40960xf32, #tpu.memory_space<hbm>>)
    return
  }
}

module attributes {stable_mosaic.version = 14 : i64} {
  func.func @_pack_body(%arg0: memref<2x320000xi32, #tpu.memory_space<vmem>>, %arg1: memref<320000xf32, #tpu.memory_space<vmem>>, %arg2: memref<10000x128xf32, #tpu.memory_space<vmem>>, %arg3: memref<320000xi32, #tpu.memory_space<vmem>>, %arg4: memref<320000xf32, #tpu.memory_space<vmem>>, %arg5: memref<1x1xf32, #tpu.memory_space<vmem>>, %arg6: memref<1x1xi32, #tpu.memory_space<vmem>>, %arg7: memref<128x10240xf32, #tpu.memory_space<vmem>>) attributes {dimension_semantics = [], scalar_prefetch = 0 : i64, scratch_operands = 0 : i64, tpu.core_type = #tpu.core_type<tc>} {
    %get3A = arith.constant 0 : index
    %get3A_0 = vector.load %arg1[%get3A] : memref<320000xf32, #tpu.memory_space<vmem>>, vector<320000xf32>
    %logistic3A = arith.negf %get3A_0 : vector<320000xf32>
    %logistic3A_1 = math.exp %logistic3A : vector<320000xf32>
    %logistic3A_2 = arith.constant 1.000000e+00 : f32
    %logistic3A_3 = vector.broadcast %logistic3A_2 : f32 to vector<320000xf32>
    %logistic3A_4 = arith.addf %logistic3A_3, %logistic3A_1 : vector<320000xf32>
    %logistic3A_5 = arith.divf %logistic3A_3, %logistic3A_4 : vector<320000xf32>
    %gt3A = arith.constant 0.000000e+00 : f32
    %gt3A_6 = vector.broadcast %gt3A : f32 to vector<320000xf32>
    %gt3A_7 = arith.cmpf ogt, %get3A_0, %gt3A_6 : vector<320000xf32>
    %convert_element_type3A = arith.extui %gt3A_7 : vector<320000xi1> to vector<320000xi32>
    %get3A_8 = arith.constant 1 : index
    %get3A_9 = arith.constant 0 : index
    %get3A_10 = vector.load %arg0[%get3A_8, %get3A_9] : memref<2x320000xi32, #tpu.memory_space<vmem>>, vector<1x320000xi32>
    %get3A_11 = vector.shape_cast %get3A_10 : vector<1x320000xi32> to vector<320000xi32>
    %mul3A = arith.constant 40960 : i32
    %mul3A_12 = vector.broadcast %mul3A : i32 to vector<320000xi32>
    %mul3A_13 = arith.muli %convert_element_type3A, %mul3A_12 : vector<320000xi32>
    %add3A = arith.addi %get3A_11, %mul3A_13 : vector<320000xi32>
    %get3A_14 = arith.constant 0 : index
    %get3A_15 = arith.constant 0 : index
    %get3A_16 = vector.load %arg0[%get3A_14, %get3A_15] : memref<2x320000xi32, #tpu.memory_space<vmem>>, vector<1x320000xi32>
    %get3A_17 = vector.shape_cast %get3A_16 : vector<1x320000xi32> to vector<320000xi32>
    %mul3A_18 = arith.constant 16384 : i32
    %mul3A_19 = vector.broadcast %mul3A_18 : i32 to vector<320000xi32>
    %mul3A_20 = arith.muli %add3A, %mul3A_19 : vector<320000xi32>
    %add3A_21 = arith.addi %get3A_17, %mul3A_20 : vector<320000xi32>
    %swap3A = arith.constant 0 : index
    %swap3A_22 = vector.load %arg3[%swap3A] : memref<320000xi32, #tpu.memory_space<vmem>>, vector<320000xi32>
    tpu.vector_store %arg3[%swap3A], %add3A_21 {strides = array<i32>} : memref<320000xi32, #tpu.memory_space<vmem>>, vector<320000xi32>,
    %swap3A_23 = arith.constant 0 : index
    %swap3A_24 = vector.load %arg4[%swap3A_23] : memref<320000xf32, #tpu.memory_space<vmem>>, vector<320000xf32>
    tpu.vector_store %arg4[%swap3A_23], %logistic3A_5 {strides = array<i32>} : memref<320000xf32, #tpu.memory_space<vmem>>, vector<320000xf32>,
    %reduce_sum3A = vector.shape_cast %logistic3A_5 : vector<320000xf32> to vector<1x320000xf32>
    %reduce_sum3A_25 = arith.constant dense<0.000000e+00> : vector<1xf32>
    %reduce_sum3A_26 = vector.multi_reduction <add>, %reduce_sum3A, %reduce_sum3A_25 [1] : vector<1x320000xf32> to vector<1xf32>
    %reduce_sum3A_27 = vector.shape_cast %reduce_sum3A_26 : vector<1xf32> to vector<1x1xf32>
    %reduce_sum3A_28 = vector.extract %reduce_sum3A_27[0, 0] : f32 from vector<1x1xf32>
    %broadcast_in_dim3A = vector.broadcast %reduce_sum3A_28 : f32 to vector<1x1xf32>
    %swap3A_29 = arith.constant 0 : index
    %swap3A_30 = arith.constant 0 : index
    %swap3A_31 = vector.load %arg5[%swap3A_29, %swap3A_30] : memref<1x1xf32, #tpu.memory_space<vmem>>, vector<1x1xf32>
    tpu.vector_store %arg5[%swap3A_29, %swap3A_30], %broadcast_in_dim3A {strides = array<i32>} : memref<1x1xf32, #tpu.memory_space<vmem>>, vector<1x1xf32>,
    %reduce_sum3A_32 = vector.shape_cast %convert_element_type3A : vector<320000xi32> to vector<1x320000xi32>
    %reduce_sum3A_33 = arith.constant dense<0> : vector<1xi32>
    %reduce_sum3A_34 = vector.multi_reduction <add>, %reduce_sum3A_32, %reduce_sum3A_33 [1] : vector<1x320000xi32> to vector<1xi32>
    %reduce_sum3A_35 = vector.shape_cast %reduce_sum3A_34 : vector<1xi32> to vector<1x1xi32>
    %reduce_sum3A_36 = vector.extract %reduce_sum3A_35[0, 0] : i32 from vector<1x1xi32>
    %broadcast_in_dim3A_37 = vector.broadcast %reduce_sum3A_36 : i32 to vector<1x1xi32>
    %swap3A_38 = arith.constant 0 : index
    %swap3A_39 = arith.constant 0 : index
    %swap3A_40 = vector.load %arg6[%swap3A_38, %swap3A_39] : memref<1x1xi32, #tpu.memory_space<vmem>>, vector<1x1xi32>
    tpu.vector_store %arg6[%swap3A_38, %swap3A_39], %broadcast_in_dim3A_37 {strides = array<i32>} : memref<1x1xi32, #tpu.memory_space<vmem>>, vector<1x1xi32>,
    %get3A_41 = arith.constant 0 : index
    %get3A_42 = arith.constant 0 : index
    %get3A_43 = vector.load %arg2[%get3A_41, %get3A_42] : memref<10000x128xf32, #tpu.memory_space<vmem>>, vector<10000x128xf32>
    %transpose3A = tpu.transpose %get3A_43, [1, 0] : vector<10000x128xf32> -> vector<128x10000xf32>
    %swap3A_44 = arith.constant 0 : index
    %swap3A_45 = arith.constant 0 : index
    %swap3A_46 = vector.load %arg7[%swap3A_44, %swap3A_45] : memref<128x10240xf32, #tpu.memory_space<vmem>>, vector<128x10000xf32>
    tpu.vector_store %arg7[%swap3A_44, %swap3A_45], %transpose3A {strides = array<i32>} : memref<128x10240xf32, #tpu.memory_space<vmem>>, vector<128x10000xf32>,
    return
  }
}

module attributes {stable_mosaic.version = 14 : i64} {
  func.func @_head_body(%arg0: memref<128x10240xf32, #tpu.memory_space<vmem>>, %arg1: memref<128x10240xf32, #tpu.memory_space<vmem>>, %arg2: memref<128x128xf32, #tpu.memory_space<vmem>>, %arg3: memref<128x1xf32, #tpu.memory_space<vmem>>, %arg4: memref<128x1xf32, #tpu.memory_space<vmem>>, %arg5: memref<1x1xf32, #tpu.memory_space<vmem>>, %arg6: memref<1x1xf32, #tpu.memory_space<vmem>>) attributes {dimension_semantics = [], scalar_prefetch = 0 : i64, scratch_operands = 0 : i64, tpu.core_type = #tpu.core_type<tc>} {
    %get3A = arith.constant 0 : index
    %get3A_0 = arith.constant 0 : index
    %get3A_1 = vector.load %arg2[%get3A, %get3A_0] : memref<128x128xf32, #tpu.memory_space<vmem>>, vector<128x128xf32>
    %get3A_2 = arith.constant 0 : index
    %get3A_3 = arith.constant 0 : index
    %get3A_4 = vector.load %arg3[%get3A_2, %get3A_3] : memref<128x1xf32, #tpu.memory_space<vmem>>, vector<128x1xf32>
    %get3A_5 = arith.constant 0 : index
    %get3A_6 = arith.constant 0 : index
    %get3A_7 = vector.load %arg4[%get3A_5, %get3A_6] : memref<128x1xf32, #tpu.memory_space<vmem>>, vector<128x1xf32>
    %iota3A = tpu.iota {dimensions = array<i32: 1>} : vector<1x10240xi32>
    %lt3A = arith.constant 10000 : i32
    %lt3A_8 = vector.broadcast %lt3A : i32 to vector<1x10240xi32>
    %lt3A_9 = arith.cmpi slt, %iota3A, %lt3A_8 : vector<1x10240xi32>
    %get3A_10 = arith.constant 0 : index
    %get3A_11 = arith.constant 0 : index
    %get3A_12 = vector.load %arg0[%get3A_10, %get3A_11] : memref<128x10240xf32, #tpu.memory_space<vmem>>, vector<128x10240xf32>
    %dot_general3A = arith.constant dense<0.000000e+00> : vector<128x10240xf32>
    %dot_general3A_13 = tpu.matmul %get3A_1, %get3A_12, %dot_general3A {dimension_numbers = #tpu.dot_dimension_numbers<[1], [0], [0], [1], [0, 0, 1, 1], [], []>, transpose_lhs_hint = false} : vector<128x128xf32>, vector<128x10240xf32>, vector<128x10240xf32> -> vector<128x10240xf32>
    %add3A = vector.broadcast %get3A_4 : vector<128x1xf32> to vector<128x10240xf32>
    %add3A_14 = arith.addf %dot_general3A_13, %add3A : vector<128x10240xf32>
    %max3A = arith.constant 0.000000e+00 : f32
    %max3A_15 = vector.broadcast %max3A : f32 to vector<128x10240xf32>
    %max3A_16 = arith.maximumf %add3A_14, %max3A_15 : vector<128x10240xf32>
    %get3A_17 = arith.constant 0 : index
    %get3A_18 = arith.constant 0 : index
    %get3A_19 = vector.load %arg1[%get3A_17, %get3A_18] : memref<128x10240xf32, #tpu.memory_space<vmem>>, vector<128x10240xf32>
    %dot_general3A_20 = arith.constant dense<0.000000e+00> : vector<128x10240xf32>
    %dot_general3A_21 = tpu.matmul %get3A_1, %get3A_19, %dot_general3A_20 {dimension_numbers = #tpu.dot_dimension_numbers<[1], [0], [0], [1], [0, 0, 1, 1], [], []>, transpose_lhs_hint = false} : vector<128x128xf32>, vector<128x10240xf32>, vector<128x10240xf32> -> vector<128x10240xf32>
    %add3A_22 = vector.broadcast %get3A_4 : vector<128x1xf32> to vector<128x10240xf32>
    %add3A_23 = arith.addf %dot_general3A_21, %add3A_22 : vector<128x10240xf32>
    %max3A_24 = arith.constant 0.000000e+00 : f32
    %max3A_25 = vector.broadcast %max3A_24 : f32 to vector<128x10240xf32>
    %max3A_26 = arith.maximumf %add3A_23, %max3A_25 : vector<128x10240xf32>
    %mul3A = vector.broadcast %get3A_7 : vector<128x1xf32> to vector<128x10240xf32>
    %mul3A_27 = arith.mulf %max3A_16, %mul3A : vector<128x10240xf32>
    %jit3A = arith.constant 0.000000e+00 : f32
    %broadcast_in_dim3A = vector.shape_cast %lt3A_9 : vector<1x10240xi1> to vector<1x10240xi1>
    %broadcast_in_dim3A_28 = vector.broadcast %broadcast_in_dim3A : vector<1x10240xi1> to vector<128x10240xi1>
    %broadcast_in_dim3A_29 = vector.broadcast %jit3A : f32 to vector<128x10240xf32>
    %select_n3A = arith.select %broadcast_in_dim3A_28, %mul3A_27, %broadcast_in_dim3A_29 : vector<128x10240xi1>, vector<128x10240xf32>
    %reduce_sum3A = vector.shape_cast %select_n3A : vector<128x10240xf32> to vector<1x128x10240xf32>
    %reduce_sum3A_30 = arith.constant dense<0.000000e+00> : vector<1xf32>
    %reduce_sum3A_31 = vector.multi_reduction <add>, %reduce_sum3A, %reduce_sum3A_30 [1, 2] : vector<1x128x10240xf32> to vector<1xf32>
    %reduce_sum3A_32 = vector.shape_cast %reduce_sum3A_31 : vector<1xf32> to vector<1x1x1xf32>
    %reduce_sum3A_33 = vector.extract %reduce_sum3A_32[0, 0, 0] : f32 from vector<1x1x1xf32>
    %mul3A_34 = vector.broadcast %get3A_7 : vector<128x1xf32> to vector<128x10240xf32>
    %mul3A_35 = arith.mulf %max3A_26, %mul3A_34 : vector<128x10240xf32>
    %jit3A_36 = arith.constant 0.000000e+00 : f32
    %broadcast_in_dim3A_37 = vector.shape_cast %lt3A_9 : vector<1x10240xi1> to vector<1x10240xi1>
    %broadcast_in_dim3A_38 = vector.broadcast %broadcast_in_dim3A_37 : vector<1x10240xi1> to vector<128x10240xi1>
    %broadcast_in_dim3A_39 = vector.broadcast %jit3A_36 : f32 to vector<128x10240xf32>
    %select_n3A_40 = arith.select %broadcast_in_dim3A_38, %mul3A_35, %broadcast_in_dim3A_39 : vector<128x10240xi1>, vector<128x10240xf32>
    %reduce_sum3A_41 = vector.shape_cast %select_n3A_40 : vector<128x10240xf32> to vector<1x128x10240xf32>
    %reduce_sum3A_42 = arith.constant dense<0.000000e+00> : vector<1xf32>
    %reduce_sum3A_43 = vector.multi_reduction <add>, %reduce_sum3A_41, %reduce_sum3A_42 [1, 2] : vector<1x128x10240xf32> to vector<1xf32>
    %reduce_sum3A_44 = vector.shape_cast %reduce_sum3A_43 : vector<1xf32> to vector<1x1x1xf32>
    %reduce_sum3A_45 = vector.extract %reduce_sum3A_44[0, 0, 0] : f32 from vector<1x1x1xf32>
    %div3A = arith.constant 1.000000e+04 : f32
    %div3A_46 = arith.divf %reduce_sum3A_33, %div3A : f32
    %logistic3A = arith.negf %div3A_46 : f32
    %logistic3A_47 = math.exp %logistic3A : f32
    %logistic3A_48 = arith.constant 1.000000e+00 : f32
    %logistic3A_49 = arith.addf %logistic3A_48, %logistic3A_47 : f32
    %logistic3A_50 = arith.divf %logistic3A_48, %logistic3A_49 : f32
    %div3A_51 = arith.constant 1.000000e+04 : f32
    %div3A_52 = arith.divf %reduce_sum3A_45, %div3A_51 : f32
    %logistic3A_53 = arith.negf %div3A_52 : f32
    %logistic3A_54 = math.exp %logistic3A_53 : f32
    %logistic3A_55 = arith.constant 1.000000e+00 : f32
    %logistic3A_56 = arith.addf %logistic3A_55, %logistic3A_54 : f32
    %logistic3A_57 = arith.divf %logistic3A_55, %logistic3A_56 : f32
    %sub3A = arith.constant 6.000000e-01 : f32
    %sub3A_58 = arith.subf %sub3A, %logistic3A_50 : f32
    %max3A_59 = arith.constant 0.000000e+00 : f32
    %max3A_60 = arith.maximumf %sub3A_58, %max3A_59 : f32
    %add3A_61 = arith.constant 1.000000e-01 : f32
    %add3A_62 = arith.addf %add3A_61, %logistic3A_57 : f32
    %sub3A_63 = arith.constant 5.000000e-01 : f32
    %sub3A_64 = arith.subf %add3A_62, %sub3A_63 : f32
    %max3A_65 = arith.constant 0.000000e+00 : f32
    %max3A_66 = arith.maximumf %sub3A_64, %max3A_65 : f32
    %get3A_67 = arith.constant 0 : index
    %get3A_68 = arith.constant 0 : index
    %get3A_69 = vector.load %arg5[%get3A_67, %get3A_68] : memref<1x1xf32, #tpu.memory_space<vmem>>, vector<1x1xf32>
    %mul3A_70 = arith.constant 5.000000e-01 : f32
    %mul3A_71 = arith.mulf %mul3A_70, %max3A_60 : f32
    %mul3A_72 = arith.constant 5.000000e-01 : f32
    %mul3A_73 = arith.mulf %mul3A_72, %max3A_66 : f32
    %add3A_74 = arith.addf %mul3A_71, %mul3A_73 : f32
    %mul3A_75 = arith.constant 1.000000e+00 : f32
    %mul3A_76 = arith.mulf %mul3A_75, %add3A_74 : f32
    %add3A_77 = vector.broadcast %mul3A_76 : f32 to vector<1x1xf32>
    %add3A_78 = arith.addf %get3A_69, %add3A_77 : vector<1x1xf32>
    %swap3A = arith.constant 0 : index
    %swap3A_79 = arith.constant 0 : index
    %swap3A_80 = vector.load %arg6[%swap3A, %swap3A_79] : memref<1x1xf32, #tpu.memory_space<vmem>>, vector<1x1xf32>
    tpu.vector_store %arg6[%swap3A, %swap3A_79], %add3A_78 {strides = array<i32>} : memref<1x1xf32, #tpu.memory_space<vmem>>, vector<1x1xf32>,
    return
  }
}

</mosaic_0001>

<sc_bundles>
// kernel: kernel.5.cloned.1.call-start
scs
__scs_entry_jumppad:
0x0: {  	(pc) =	sbr.rel $0x88, $3  }
0x1: {  	(tag) =	ssettag $0x0;
	lr =	simm.s32 $0x1  }
0x2: {  	[smem:$0x3F9B] =	sst lr;
	_ =	strace $0xD0000000  }
0x3: {  	_ = 	snop  }
0x4: {  	_ = 	snop  }
0x5: {  	_ = 	snop  }
0x6: {  	_ = 	snop  }
0x7: {  	_ = 	snop  }
__scs_overlays_trampoline_lowered:
0x8: {  	[smem:$0x3FAA] =	sst s0  }
0x9: {  	[smem:$0x3FAB] =	sst s1  }
0xa: {  	[smem:$0x3FAC] =	sst s2  }
0xb: {  	[smem:$0x3FAD] =	sst s3  }
0xc: {  	[smem:$0x3FAE] =	sst s4  }
0xd: {  	[smem:$0x3FAF] =	sst s5  }
0xe: {  	[smem:$0x3FB0] =	sst s6  }
0xf: {  	[smem:$0x3FB1] =	sst s7  }
0x10: {  	[smem:$0x3FB2] =	sst s8  }
0x11: {  	[smem:$0x3FB3] =	sst s9;
	s0 =	simm.s32 @!p0 $0x0  }
0x12: {  	s1 =	sld [smem:$0x3F99];
	s0 =	simm.s32 @p0 $0x1  }
0x13: {  	[smem:$0x3FB4] =	sst s0;
	s0 =	simm.s32 @!p1 $0x0  }
0x14: {  	s2 =	sld [smem:$0x3F98];
	s0 =	simm.s32 @p1 $0x1  }
0x15: {  	[smem:$0x3FB5] =	sst s0;
	s0 =	simm.s32 @!p2 $0x0  }
0x16: {  	s3 =	sld [smem:$0x3FDB];
	s0 =	simm.s32 @p2 $0x1  }
0x17: {  	s4 =	simm.s32 $0x1BF5;
	[smem:$0x3FB7] =	sst s0  }
0x18: {  	s0 =	sld [smem:$0x3F9A];
	_ =	swait.ge [sflag:s4], $0x0  }
0x19: {  	s7 =	sld [smem:$0x3F9B]  }
0x1a: {  	s8 =	sadd.s32 $0xFFFFE003, lr  }
0x1b: {  	s9 =	sadd.s32 $0xFFFFFEF7, lr;
	s5 =	simm.s32 $0xFFFFFFFF;
	p2 =	slt.u32 s8, $0xFFFFF086  }
0x1c: {  	p1 =	slt.u32 s9, $0xF7A;
	s5 =	simm.s32 @!p2 $0x0  }
0x1d: {  	s5 =	simm.s32 @p1 $0x1;
	p0 =	seq.s32 s7, s2  }
0x1e: {  	s7 =	smul.u32 @!p0 $0xF7A, s2;
	p2 =	seq.s32 @!p0 s5, $0x0  }
0x1f: {  	s9 =	smul.u32 $0xF7A, s1;
	s8 =	simm.s32 @!p0 $0x1BF5;
	p2 =	por !p2, p0  }
0x20: {  	[sflag:s8] =	ssyncset.s32 @!p0 $0xFFFFF086;
	s6 =	sadd.s32 @!p0 s3, s7;
	s7 =	simm.s32 @!p0 $0x108  }
0x21: {  	s3 =	sadd.s32 s3, s9;
	s6 =	sadd.s32 @!p0 $0x88, s6;
	s7 =	simm.s32 @p2 $0x1082  }
0x22: {  	[simem:s7], [sflag:s8] =	dma.local @!p0 [hbm:s6], $0xF7A  }
0x23: {  	s9 =	sor.u32 $0xD0000000, s2;
	s6 =	simm.s32 $0x108;
	_ =	swait.ge @!p0 [sflag:s8], $0x0  }
0x24: {  	s3 =	sadd.s32 $0x88, s3;
	s6 =	simm.s32 @!p1 $0x1082;
	[sflag:s4] =	ssyncset.s32 $0xFFFFF086  }
0x25: {  	[simem:s6], [sflag:s4] =	dma.local [hbm:s3], $0xF7A  }
0x26: {  	[smem:$0x3F9B] =	sst s1;
	(tag) =	ssettag s2;
	_ =	strace s9  }
0x27: {  	s1 =	sld [smem:$0x3FAB]  }
0x28: {  	s2 =	sld [smem:$0x3FAC]  }
0x29: {  	s4 =	sld [smem:$0x3FAE]  }
0x2a: {  	p0 =	seq.s32 s5, $0x0;
	s5 =	sld [smem:$0x3FAF]  }
0x2b: {  	s6 =	sld [smem:$0x3FB0]  }
0x2c: {  	s7 =	sld [smem:$0x3FB1]  }
0x2d: {  	s3 =	simm.s32 $0x108;
	s8 =	sld [smem:$0x3FB2]  }
0x2e: {  	s3 =	simm.s32 @!p0 $0x1082;
	s9 =	sld [smem:$0x3FB3]  }
0x2f: {  	lr =	sadd.s32 s0, s3;
	s0 =	sld [smem:$0x3FAA]  }
0x30: {  	s3 =	sld [smem:$0x3FAD]  }
0x31: {  	[smem:$0x3FB6] =	sst s10  }
0x32: {  	s10 =	sld [smem:$0x3FB4];
	_ =	sdelay $0x3  }
0x33: {  	p0 =	seq.s32 s10, $0x1;
	s10 =	sld [smem:$0x3FB6];
	_ =	sdelay $0x3  }
0x34: {  	[smem:$0x3FB6] =	sst s10  }
0x35: {  	s10 =	sld [smem:$0x3FB5];
	_ =	sdelay $0x3  }
0x36: {  	p1 =	seq.s32 s10, $0x1;
	s10 =	sld [smem:$0x3FB6];
	_ =	sdelay $0x3  }
0x37: {  	[smem:$0x3FB6] =	sst s10  }
0x38: {  	s10 =	sld [smem:$0x3FB7]  }
0x39: {  	_ = 	snop;
	(pc) =	sbr.ind lr, $3  }
0x3a: {  	_ = 	snop  }
0x3b: {  	_ = 	snop  }
0x3c: {  	p2 =	seq.s32 s10, $0x1;
	s10 =	sld [smem:$0x3FB6]  }
0x3d: {  	_ =	shalt  }
0x3e: {  	_ =	shalt  }
0x3f: {  	_ =	shalt  }
0x40: {  	_ =	shalt  }
0x41: {  	_ =	shalt  }
0x42: {  	_ =	shalt  }
0x43: {  	_ =	shalt  }
0x44: {  	_ =	shalt  }
0x45: {  	_ =	shalt  }
0x46: {  	_ =	shalt  }
0x47: {  	_ =	shalt  }
0x48: {  	_ =	shalt  }
0x49: {  	_ =	shalt  }
0x4a: {  	_ =	shalt  }
0x4b: {  	_ =	shalt  }
0x4c: {  	_ =	shalt  }
0x4d: {  	_ =	shalt  }
0x4e: {  	_ =	shalt  }
0x4f: {  	_ =	shalt  }
0x50: {  	_ =	shalt  }
0x51: {  	_ =	shalt  }
0x52: {  	_ =	shalt  }
0x53: {  	_ =	shalt  }
0x54: {  	_ =	shalt  }
0x55: {  	_ =	shalt  }
0x56: {  	_ =	shalt  }
0x57: {  	_ =	shalt  }
0x58: {  	_ =	shalt  }
0x59: {  	_ =	shalt  }
0x5a: {  	_ =	shalt  }
0x5b: {  	_ =	shalt  }
0x5c: {  	_ =	shalt  }
0x5d: {  	_ =	shalt  }
0x5e: {  	_ =	shalt  }
0x5f: {  	_ =	shalt  }
0x60: {  	_ =	shalt  }
0x61: {  	_ =	shalt  }
0x62: {  	_ =	shalt  }
0x63: {  	_ =	shalt  }
0x64: {  	_ =	shalt  }
0x65: {  	_ =	shalt  }
0x66: {  	_ =	shalt  }
0x67: {  	_ =	shalt  }
0x68: {  	_ =	shalt  }
0x69: {  	_ =	shalt  }
0x6a: {  	_ =	shalt  }
0x6b: {  	_ =	shalt  }
0x6c: {  	_ =	shalt  }
0x6d: {  	_ =	shalt  }
0x6e: {  	_ =	shalt  }
0x6f: {  	_ =	shalt  }
0x70: {  	_ =	shalt  }
0x71: {  	_ =	shalt  }
0x72: {  	_ =	shalt  }
0x73: {  	_ =	shalt  }
0x74: {  	_ =	shalt  }
0x75: {  	_ =	shalt  }
0x76: {  	_ =	shalt  }
0x77: {  	_ =	shalt  }
0x78: {  	_ =	shalt  }
0x79: {  	_ =	shalt  }
0x7a: {  	_ =	shalt  }
0x7b: {  	_ =	shalt  }
0x7c: {  	_ =	shalt  }
0x7d: {  	_ =	shalt  }
0x7e: {  	_ =	shalt  }
0x7f: {  	_ =	shalt  }
0x80: {  	_ =	shalt  }
0x81: {  	_ =	shalt  }
0x82: {  	_ =	shalt  }
0x83: {  	_ =	shalt  }
0x84: {  	_ =	shalt  }
0x85: {  	_ =	shalt  }
0x86: {  	_ =	shalt  }
0x87: {  	_ =	shalt  }
.Lfunc_end0:
.L_simem_size_0:
called_computation_lowered:
.L_overlay_start_0:
0x88: {  	s2 =	sld [smem:$0x3FD9]  }
0x89: {  	s3 =	sld [smem:$0x3FFE];
	_ =	sdelay $0x1  }
0x8a: {  	s1 =	srdreg.scid  }
0x8b: {  	s0 =	sand.u32 $0x1, s1  }
0x8c: {  	s16 =	sshll.u32 s0, $0xA;
	s2 =	sadd.s32 s3, s2  }
0x8d: {  	s2 =	sadd.s32 s2, s16  }
0x8e: {  	[smem:$0x3FC2] =	sst s2  }
0x8f: {  	_ = 	snop  }
0x90: {  	(tm) =	ssettm $0x1  }
0x91: {  	s17 =	sld [smem:$0x3FFB];
	_ =	sdelay $0x3  }
0x92: {  	_ =	strace s17  }
0x93: {  	s2 =	sld [smem:$0x3FFC];
	_ =	sdelay $0x3  }
0x94: {  	_ =	strace s2  }
0x95: {  	s2 =	sld [smem:$0x3FFD];
	_ =	sdelay $0x3  }
0x96: {  	_ =	strace s2  }
0x97: {  	_ =	strace $0x8FFFFFFF  }
0x98: {  	s18 =	sld [smem:$0x3FDB];
	_ =	sdelay $0x1  }
0x99: {  	s19 =	simm.s32 $_scs_section_size  }
0x9a: {  	s4 =	simm.s32 $_size__tile_overlayer_lowered;
	s5 =	simm.s32 $_tile_overlayer_lowered  }
0x9b: {  	s22 =	simm.s32 $0x1BFF;
	s21 =	sshll.u32 s5, $0x1;
	s2 =	sadd.s32 s19, s18  }
0x9c: {  	s6 =	simm.s32 $0x0;
	s20 =	sshll.u32 s4, $0x1;
	s4 =	sadd.s32 s21, s2  }
0x9d: {  	[timem:s6], [sflag:s22] =	dma.local [hbm:s4], s20  }
0x9e: {  	_ =	swait.ge [sflag:s22], s20  }
0x9f: {  	s3 =	ssub.s32 $0x0, s20;
	[sflag:s22] =	ssyncset.done $0x0  }
0xa0: {  	[sflag:s22] =	ssyncadd.s32 s3;
	_ =	sdelay $0x1  }
0xa1: {  	s23 =	simm.s32 $0x1B8B  }
0xa2: {  	_ =	swait.ge [sflag:s23], $0x1  }
0xa3: {  	[sflag:s23] =	ssyncset.done $0x0  }
0xa4: {  	s25 =	simm.s32 $0x1B8E;
	s24 =	sld [smem:$0x3FFE];
	[sflag:s23] =	ssyncadd.s32 $0xFFFFFFFF  }
0xa5: {  	s26 =	simm.s32 $execute0_lowered;
	[smem:$0x3FD2] =	sst s25  }
0xa6: {  	s4 =	sshll.u32 s26, $0x1;
	_ =	strace $0x80000046;
	[dreg:$0x1] =	wrdreg $0xFFFFFFFF  }
0xa7: {  	s28 =	simm.s32 $_size_execute0_lowered;
	s2 =	sadd.s32 s2, s4;
	[dreg:$0x0] =	wrdreg $0x0  }
0xa8: {  	s4 =	sshll.u32 s28, $0x1;
	[dreg:$0x2] =	wrdreg s2  }
0xa9: {  	[dreg:$0x3] =	wrdreg s4  }
0xaa: {  	[dreg:$0x4] =	wrdreg $0xC0  }
0xab: {  	_ =	task [dreg:s6], $0x5FFFF  }
0xac: {  	[dreg:$0x1] =	wrdreg $0xFFFFFFFF  }
0xad: {  	[dreg:$0x0] =	wrdreg $0x60  }
0xae: {  	[dreg:$0x2] =	wrdreg s24  }
0xaf: {  	[dreg:$0x3] =	wrdreg $0x9  }
0xb0: {  	_ =	task.clear_ibuf [dreg:s6], $0x4FFFF;
	_ =	strace $0x90000046  }
0xb1: {  	s29 =	simm.s32 $0x9;
	_ =	strace $0x80000048  }
0xb2: {  	_ =	swait.ge [sflag:s29], $0x1  }
0xb3: {  	[sflag:s29] =	ssyncadd.s32 $0xFFFFFFFF  }
0xb4: {  	_ =	strace $0x90000048  }
0xb5: {  	_ =	sfence  }
0xb6: {  	s30 =	sld [smem:$0x0];
	_ =	sdelay $0x2  }
0xb7: {  	s31 =	sshll.u32 s1, $0xD;
	s1 =	sshrl.u32 s1, $0x2  }
0xb8: {  	s3 =	sand.u32 $0x4000, s31;
	s1 =	sadd.s32 s1, s30  }
0xb9: {  	s0 =	sor.u32 s3, s0;
	s1 =	sshll.u32 s1, $0x11  }
0xba: {  	s0 =	sor.u32 s1, s0  }
0xbb: {  	s0 =	sadd.s32 $0x8F2B, s0  }
0xbc: {  	[sflag:s0] =	ssyncadd.remote.s32 $0x1  }
0xbd: {  	_ =	sfence.sel $0xFFFF  }
0xbe: {  	[dreg:$0x0] =	wrdreg $0xFFFFFFFF;
	(pc) =	sbr.abs _section_cstart, $3  }
0xbf: {  	[dreg:$0x1] =	wrdreg $0xFFFFFFFF  }
0xc0: {  	_ =	task.clear_ibuf [dreg:s6], $0x2FFFF;
	_ =	strace $0x9FFFFFFF  }
0xc1: {  	(tm) =	ssettm $0x7FFFFFFF  }
tec
execute0_lowered:
.L_overlay_start_1:
0x0: {  	(tag) =	ssettag $0x1  }
0x1: {  	s4 =	rddreg [dreg:$0x0]  }
0x2: {  	s0 =	rddreg [dreg:$0x1]  }
0x3: {  	s2 =	simm.s32 $0x0;
	s3 =	srdreg.scid;
	s1 =	stileid.u32  }
0x4: {  	s9 =	simm.s32 $0x200;
	s10 =	simm.s32 $0x400;
	s11 =	simm.s32 $0x3  }
0x5: {  	s12 =	simm.s32 $0x1EC80;
	s13 =	simm.s32 $0x1;
	s14 =	simm.s32 $0xA000  }
0x6: {  	s15 =	simm.s32 $0x2;
	s16 =	simm.s32 $0x14000;
	s17 =	simm.s32 $0x0  }
0x7: {  	s5 =	sand.u32 $0x1, s3;
	s30 =	smul.u32 $0x14000, s1;
	s6 =	sshll.u32 s1, $0x1  }
0x8: {  	[smem:$0x7FF] =	sst s2;
	s7 =	sshll.u32 s5, $0x9;
	s6 =	sor.u32 s5, s6  }
0x9: {  	s3 =	sadd.s32 $0x29E00, s4;
	s7 =	sor.u32 s7, s30;
	s6 =	smul.u32 $0x1400, s6  }
0xa: {  	_ =	strace $0x80000047;
	s5 =	ssub.s32 $0x2, s5;
	s7 =	sshrl.u32 s7, $0x3  }
0xb: {  	s31 =	sshrl.u32 s5, $0x1;
	s7 =	sadd.s32 s7, s4;
	s6 =	sadd.s32 s6, s4  }
0xc: {  	s8 =	ssub.s32 s5, s31;
	s4 =	sadd.s32 $0x1E00, s7;
	s5 =	sadd.s32 $0x33C00, s6  }
0xd: {  	v0 =	vimm.f32 $0.0e+00;
	s6 =	sadd.s32 $0x5BC00, s6;
	s7 =	smax.u32 s8, $0x1;
	s8 =	simm.s32 $0x1E000  }
.LBB2_1:
0xe: {  	[tilespmem:s8], [sflag:$0x1] =	stream.linear.gather [hbm4b:s3+s2], $0xC80, $0x38;
	[tilespmem:$0x1F900] =	vst v63  }
0xf: {  	_ = 	snop  }
0x10: {  	[tilespmem:s2], [sflag:$0x3] =	stream.strided.gather [hbm4b:s4+s9], $0xA000, s10, s9, $0x38;
	[tilespmem:$0x1F900] =	vst v63  }
0x11: {  	_ =	swait.ge [sflag:s11], $0xA000  }
0x12: {  	[sflag:s11] =	ssyncset.done $0x0  }
0x13: {  	s18 =	simm.s32 $0xA040;
	[sflag:s11] =	ssyncadd.s32 $0xFFFF6000  }
0x14: {  	[tilespmem:s18+$0xFFFFFFC0] =	vst v0  }
0x15: {  	[tilespmem:s18+$0x30] =	vst v0  }
0x16: {  	[tilespmem:s18+$0x20] =	vst v0  }
0x17: {  	[tilespmem:s18+$0x10] =	vst v0  }
0x18: {  	[tilespmem:s18+$0x0] =	vst v0  }
0x19: {  	[tilespmem:s18+$0xFFFFFFF0] =	vst v0  }
0x1a: {  	s19 =	simm.s32 $0x0;
	[tilespmem:s18+$0xFFFFFFE0] =	vst v0  }
.LBB2_2:
0x1b: {  	s19 =	sadd.s32 $0x80, s19;
	[tilespmem:s18+$0xFFFFFFD0] =	vst v0;
	s18 =	sadd.s32 $0x80, s18  }
0x1c: {  	[tilespmem:s18+$0xFFFFFFC0] =	vst v0;
	p0 =	slt.u32 s19, $0x13F80  }
0x1d: {  	[tilespmem:s18+$0x30] =	vst v0  }
.Ltmp0:
0x1e: {  	[tilespmem:s18+$0x20] =	vst v0;
	(pc) =	sbr.rel @p0 .LBB2_2-.Ltmp0, $4  }
0x1f: {  	[tilespmem:s18+$0x10] =	vst v0  }
0x20: {  	[tilespmem:s18+$0x0] =	vst v0  }
0x21: {  	[tilespmem:s18+$0xFFFFFFF0] =	vst v0  }
0x22: {  	[tilespmem:s18+$0xFFFFFFE0] =	vst v0  }
0x23: {  	[tilespmem:s18+$0xFFFFFFD0] =	vst v0;
	s18 =	simm.s32 $0x0  }
.LBB2_4:
0x24: {  	s19 =	smul.u32 $0x1900, s18;
	_ =	sdelay $0x1  }
0x25: {  	s19 =	sshrl.u32 s19, $0x3  }
0x26: {  	s19 =	sadd.s32 s3, s19  }
0x27: {  	s19 =	sadd.s32 $0x190, s19  }
0x28: {  	[tilespmem:s12], [sflag:$0x2] =	stream.linear.gather [hbm4b:s19+s2], $0xC80, $0x38;
	[tilespmem:$0x1F900] =	vst v63  }
0x29: {  	_ =	swait.ge [sflag:s13], $0xC80  }
0x2a: {  	[sflag:s13] =	ssyncset.done $0x0  }
0x2b: {  	s19 =	simm.s32 $0x1E040;
	[sflag:s13] =	ssyncadd.s32 $0xFFFFF380  }
0x2c: {  	v1 =	vld [tilespmem:s19+$0xFFFFFFC0]  }
0x2d: {  	v5 =	vld [tilespmem:s19+$0xFFFFFFF0]  }
0x2e: {  	v7 =	vld [tilespmem:s19+$0x30]  }
0x2f: {  	v8 =	vld [tilespmem:s19+$0xFFFFFFD0];
	_ =	sdelay $0x1  }
0x30: {  	v2 =	vshll.u32 v1, $0x2  }
0x31: {  	v10 =	vld [tilespmem:s19+$0x20];
	v3 =	vand.u32 $0x7F, v1;
	v26 =	vshrl.u32 v1, $0xE;
	v2 =	vand.u32 $0xFE00, v2  }
0x32: {  	v11 =	vld [tilespmem:s19+$0x10];
	v1 =	vshll.u32 v7, $0x2;
	v14 =	vor.u32 v3, v2;
	v3 =	vshll.u32 v5, $0x2  }
0x33: {  	v4 =	vand.u32 $0x7F, v5;
	v9 =	vshll.u32 v8, $0x2;
	v3 =	vand.u32 $0xFE00, v3  }
0x34: {  	v6 =	vor.u32 v4, v3;
	v3 =	vand.u32 $0x7F, v8;
	v4 =	vand.u32 $0xFE00, v9  }
0x35: {  	v2 =	vand.u32 $0x7F, v7;
	v9 =	vand.u32 $0xFE00, v1;
	v1 =	vor.u32 v3, v4  }
0x36: {  	v12 =	vld [tilespmem:s19+$0x0];
	v15 =	vshll.u32 v10, $0x2;
	v9 =	vor.u32 v2, v9  }
0x37: {  	v3 =	vand.u32 $0x7F, v10;
	v2 =	vand.u32 $0xFE00, v15;
	v4 =	vshll.u32 v11, $0x2;
	v13 =	vld.idx.msk [tilespmem:v14+s2+$0x0], $0xffff  }
0x38: {  	v2 =	vor.u32 v3, v2;
	v3 =	vand.u32 $0xFE00, v4;
	v4 =	vand.u32 $0x7F, v11  }
0x39: {  	v16 =	vld [tilespmem:s19+$0xFFFFFFE0];
	v3 =	vor.u32 v4, v3  }
0x3a: {  	v15 =	vor.u32 $0x80, v14;
	v27 =	vld.idx.msk [tilespmem:v1+s2+$0x0], $0xffff  }
0x3b: {  	v18 =	vld.idx.msk [tilespmem:v9+s2+$0x0], $0xffff  }
0x3c: {  	v17 =	vshll.u32 v12, $0x2;
	v19 =	vshrl.u32 v7, $0xE;
	[tilespmem:v26+s14+$0x0] =	vst.idx.add.f32.msk $0xffff, v13  }
0x3d: {  	v28 =	vshrl.u32 v11, $0xE;
	v11 =	vor.u32 $0x80, v9;
	v13 =	vand.u32 $0xFE00, v17;
	v17 =	vld.idx.msk [tilespmem:v6+s2+$0x0], $0xffff  }
0x3e: {  	v29 =	vshrl.u32 v5, $0xE;
	v4 =	vand.u32 $0x7F, v12;
	v20 =	vld.idx.msk [tilespmem:v3+s2+$0x0], $0xffff  }
0x3f: {  	v4 =	vor.u32 v4, v13;
	v13 =	vshll.u32 v16, $0x2;
	v15 =	vld.idx.msk [tilespmem:v15+s2+$0x0], $0xffff  }
0x40: {  	v22 =	vadd.s32 $0x2800, v26;
	v7 =	vand.u32 $0x7F, v16;
	v5 =	vand.u32 $0xFE00, v13;
	v13 =	vld.idx.msk [tilespmem:v2+s2+$0x0], $0xffff  }
0x41: {  	v45 =	vand.u32 $0x7F, v26;
	v22 =	vand.u32 $0x7FF80, v22;
	v5 =	vor.u32 v7, v5;
	[tilespmem:v19+s14+$0x0] =	vst.idx.add.f32.msk $0xffff, v18  }
0x42: {  	v30 =	vshrl.u32 v16, $0xE;
	v7 =	vadd.s32 $0x2800, v28;
	v18 =	vor.u32 v45, v22;
	v16 =	vld.idx.msk [tilespmem:v11+s2+$0x0], $0xffff  }
0x43: {  	v32 =	vand.u32 $0x7FF80, v7;
	v7 =	vshrl.u32 v10, $0xE;
	[tilespmem:v29+s14+$0x0] =	vst.idx.add.f32.msk $0xffff, v17  }
0x44: {  	v10 =	vor.u32 $0x80, v6;
	v17 =	vshrl.u32 v8, $0xE;
	v8 =	vadd.s32 $0x2800, v19;
	[tilespmem:v28+s14+$0x0] =	vst.idx.add.f32.msk $0xffff, v20  }
0x45: {  	v23 =	vand.u32 $0x7F, v19;
	v40 =	vor.u32 $0x100, v14;
	v31 =	vld.idx.msk [tilespmem:v4+s2+$0x0], $0xffff;
	v8 =	vand.u32 $0x7FF80, v8  }
0x46: {  	v21 =	vadd.s32 $0x7800, v26;
	v36 =	vadd.s32 $0x5000, v19;
	v34 =	vor.u32 v23, v8;
	v33 =	vld.idx.msk [tilespmem:v5+s2+$0x0], $0xffff  }
0x47: {  	v24 =	vadd.s32 $0x5000, v29;
	v41 =	vadd.s32 $0x2800, v30;
	v63 =	vadd.s32 $0x5000, v30;
	[tilespmem:v18+s14+$0x0] =	vst.idx.add.f32.msk $0xffff, v15  }
0x48: {  	v35 =	vand.u32 $0x7FF80, v21;
	v37 =	vor.u32 $0x100, v9;
	v61 =	vor.u32 $0x80, v3;
	[tilespmem:v7+s14+$0x0] =	vst.idx.add.f32.msk $0xffff, v13  }
0x49: {  	v22 =	vadd.s32 $0x7800, v19;
	v19 =	vadd.s32 $0x5000, v28;
	v8 =	vadd.s32 $0x2800, v29;
	v21 =	vld.idx.msk [tilespmem:v10+s2+$0x0], $0xffff  }
0x4a: {  	v39 =	vand.u32 $0x7FF80, v8;
	v8 =	vand.u32 $0x7F, v28;
	v10 =	vadd.s32 $0x7800, v28;
	v28 =	vld.idx.msk [tilespmem:v40+s2+$0x0], $0xffff  }
0x4b: {  	v35 =	vor.u32 v45, v35;
	v44 =	vor.u32 $0x80, v1;
	[tilespmem:v34+s14+$0x0] =	vst.idx.add.f32.msk $0xffff, v16;
	v34 =	vshrl.u32 v12, $0xE  }
0x4c: {  	v42 =	vor.u32 $0x80, v4;
	v38 =	vor.u32 $0x80, v5;
	v11 =	vadd.s32 $0x2800, v17;
	[tilespmem:v17+s14+$0x0] =	vst.idx.add.f32.msk $0xffff, v27  }
0x4d: {  	v25 =	vand.u32 $0x7FF80, v11;
	v11 =	vadd.s32 $0x5000, v17;
	v27 =	vand.u32 $0x7FF80, v36;
	v36 =	vld.idx.msk [tilespmem:v61+s2+$0x0], $0xffff  }
0x4e: {  	v15 =	vadd.s32 $0x2800, v7;
	v18 =	vadd.s32 $0x5000, v7;
	v13 =	vadd.s32 $0x7800, v29;
	[tilespmem:v30+s14+$0x0] =	vst.idx.add.f32.msk $0xffff, v33  }
0x4f: {  	v20 =	vor.u32 v8, v32;
	v62 =	vand.u32 $0x7FF80, v15;
	v16 =	vor.u32 $0x80, v2;
	v46 =	vld.idx.msk [tilespmem:v37+s2+$0x0], $0xffff  }
0x50: {  	v15 =	vadd.s32 $0x7800, v17;
	v29 =	vand.u32 $0x7F, v29;
	v47 =	vor.u32 v23, v27;
	[tilespmem:v34+s14+$0x0] =	vst.idx.add.f32.msk $0xffff, v31  }
0x51: {  	v43 =	vor.u32 v29, v39;
	v12 =	vand.u32 $0x7F, v7;
	v27 =	vadd.s32 $0x2800, v34;
	v31 =	vld.idx.msk [tilespmem:v42+s2+$0x0], $0xffff  }
0x52: {  	v39 =	vand.u32 $0x7FF80, v27;
	v27 =	vadd.s32 $0x5000, v26;
	v42 =	vld.idx.msk [tilespmem:v44+s2+$0x0], $0xffff;
	v44 =	vor.u32 $0x100, v6  }
0x53: {  	v32 =	vor.u32 v12, v62;
	v37 =	vand.u32 $0x7FF80, v63;
	v38 =	vld.idx.msk [tilespmem:v38+s2+$0x0], $0xffff;
	v27 =	vand.u32 $0x7FF80, v27  }
0x54: {  	v48 =	vadd.s32 $0x7800, v34;
	v33 =	vadd.s32 $0x5000, v34;
	v45 =	vor.u32 v45, v27;
	v40 =	vld.idx.msk [tilespmem:v16+s2+$0x0], $0xffff  }
0x55: {  	s20 =	simm.s32 $0x0;
	v26 =	vand.u32 $0x7FF80, v48;
	v27 =	vor.u32 $0x180, v14;
	v16 =	vadd.s32 $0x7800, v30;
	[tilespmem:v47+s14+$0x0] =	vst.idx.add.f32.msk $0xffff, v46  }
.LBB2_5:
0x56: {  	s20 =	sadd.s32 $0x80, s20;
	[tilespmem:v43+s14+$0x0] =	vst.idx.add.f32.msk $0xffff, v21;
	s19 =	sadd.s32 $0x80, s19  }
0x57: {  	p0 =	slt.u32 s20, $0xC00;
	v43 =	vld.idx.msk [tilespmem:v44+s2+$0x0], $0xffff  }
0x58: {  	v14 =	vld [tilespmem:s19+$0x0]  }
0x59: {  	[tilespmem:v45+s14+$0x0] =	vst.idx.add.f32.msk $0xffff, v28  }
0x5a: {  	v27 =	vld.idx.msk [tilespmem:v27+s2+$0x0], $0xffff  }
0x5b: {  	v21 =	vld [tilespmem:s19+$0xFFFFFFE0]  }
0x5c: {  	v17 =	vand.u32 $0x7F, v17;
	v28 =	vld [tilespmem:s19+$0xFFFFFFF0]  }
0x5d: {  	v25 =	vor.u32 v17, v25;
	v44 =	vld [tilespmem:s19+$0x30]  }
0x5e: {  	v46 =	vand.u32 $0x7F, v30;
	v30 =	vand.u32 $0x7FF80, v41;
	v9 =	vor.u32 $0x180, v9;
	v45 =	vld [tilespmem:s19+$0xFFFFFFC0]  }
0x5f: {  	v47 =	vor.u32 v46, v30;
	v37 =	vor.u32 v46, v37;
	v41 =	vld [tilespmem:s19+$0x10]  }
0x60: {  	[tilespmem:v35+s14+$0x0] =	vst.idx.add.f32.msk $0xffff, v27  }
0x61: {  	v24 =	vand.u32 $0x7FF80, v24;
	v27 =	vor.u32 $0x100, v5;
	v30 =	vld [tilespmem:s19+$0x20]  }
0x62: {  	v24 =	vor.u32 v29, v24;
	[tilespmem:v25+s14+$0x0] =	vst.idx.add.f32.msk $0xffff, v42  }
0x63: {  	v9 =	vld.idx.msk [tilespmem:v9+s2+$0x0], $0xffff  }
0x64: {  	v35 =	vor.u32 $0x100, v2;
	v25 =	vshll.u32 v45, $0x2;
	[tilespmem:v47+s14+$0x0] =	vst.idx.add.f32.msk $0xffff, v38  }
0x65: {  	v22 =	vand.u32 $0x7FF80, v22;
	v25 =	vand.u32 $0xFE00, v25;
	v38 =	vld [tilespmem:s19+$0xFFFFFFD0]  }
0x66: {  	v22 =	vor.u32 v23, v22;
	v27 =	vld.idx.msk [tilespmem:v27+s2+$0x0], $0xffff  }
0x67: {  	v6 =	vor.u32 $0x180, v6;
	[tilespmem:v24+s14+$0x0] =	vst.idx.add.f32.msk $0xffff, v43  }
0x68: {  	v23 =	vor.u32 $0x100, v1;
	v24 =	vand.u32 $0x7F, v34;
	[tilespmem:v32+s14+$0x0] =	vst.idx.add.f32.msk $0xffff, v40  }
0x69: {  	v32 =	vor.u32 v24, v39;
	v34 =	vld.idx.msk [tilespmem:v35+s2+$0x0], $0xffff  }
0x6a: {  	v35 =	vor.u32 $0x100, v4;
	[tilespmem:v20+s14+$0x0] =	vst.idx.add.f32.msk $0xffff, v36  }
0x6b: {  	v20 =	vor.u32 $0x100, v3;
	[tilespmem:v22+s14+$0x0] =	vst.idx.add.f32.msk $0xffff, v9  }
0x6c: {  	v13 =	vand.u32 $0x7FF80, v13;
	v9 =	vand.u32 $0x7FF80, v15;
	v15 =	vand.u32 $0x7FF80, v19;
	v6 =	vld.idx.msk [tilespmem:v6+s2+$0x0], $0xffff  }
0x6d: {  	v18 =	vand.u32 $0x7FF80, v18;
	v13 =	vor.u32 v29, v13;
	v3 =	vor.u32 $0x180, v3;
	v19 =	vld.idx.msk [tilespmem:v23+s2+$0x0], $0xffff  }
0x6e: {  	v10 =	vand.u32 $0x7FF80, v10;
	v18 =	vor.u32 v12, v18;
	v22 =	vand.u32 $0x7FF80, v33;
	[tilespmem:v32+s14+$0x0] =	vst.idx.add.f32.msk $0xffff, v31  }
0x6f: {  	v11 =	vand.u32 $0x7FF80, v11;
	v10 =	vor.u32 v8, v10;
	v2 =	vor.u32 $0x180, v2;
	v23 =	vld.idx.msk [tilespmem:v35+s2+$0x0], $0xffff  }
0x70: {  	v11 =	vor.u32 v17, v11;
	v5 =	vor.u32 $0x180, v5;
	v4 =	vor.u32 $0x180, v4;
	v20 =	vld.idx.msk [tilespmem:v20+s2+$0x0], $0xffff  }
0x71: {  	v7 =	vadd.s32 $0x7800, v7;
	v1 =	vor.u32 $0x180, v1;
	v26 =	vor.u32 v24, v26;
	[tilespmem:v37+s14+$0x0] =	vst.idx.add.f32.msk $0xffff, v27  }
0x72: {  	v7 =	vand.u32 $0x7FF80, v7;
	v27 =	vand.u32 $0x7F, v45;
	[tilespmem:v13+s14+$0x0] =	vst.idx.add.f32.msk $0xffff, v6;
	v6 =	vor.u32 v24, v22  }
0x73: {  	v8 =	vor.u32 v8, v15;
	v27 =	vor.u32 v27, v25;
	v13 =	vand.u32 $0x7FF80, v16;
	[tilespmem:v18+s14+$0x0] =	vst.idx.add.f32.msk $0xffff, v34  }
0x74: {  	v7 =	vor.u32 v12, v7;
	v16 =	vshrl.u32 v44, $0xE;
	v13 =	vor.u32 v46, v13;
	v15 =	vld.idx.msk [tilespmem:v2+s2+$0x0], $0xffff  }
0x75: {  	v31 =	vshrl.u32 v45, $0xE;
	v12 =	vor.u32 $0x80, v27;
	[tilespmem:v11+s14+$0x0] =	vst.idx.add.f32.msk $0xffff, v19;
	v11 =	vor.u32 v17, v9  }
0x76: {  	v18 =	vadd.s32 $0x7800, v31;
	v2 =	vand.u32 $0x7F, v44;
	v9 =	vshll.u32 v44, $0x2;
	v1 =	vld.idx.msk [tilespmem:v1+s2+$0x0], $0xffff  }
0x77: {  	v19 =	vand.u32 $0x7F, v30;
	v17 =	vshll.u32 v30, $0x2;
	v9 =	vand.u32 $0xFE00, v9;
	[tilespmem:v6+s14+$0x0] =	vst.idx.add.f32.msk $0xffff, v23  }
0x78: {  	v29 =	vshrl.u32 v41, $0xE;
	v6 =	vshll.u32 v41, $0x2;
	v9 =	vor.u32 v2, v9;
	[tilespmem:v8+s14+$0x0] =	vst.idx.add.f32.msk $0xffff, v20  }
0x79: {  	v2 =	vadd.s32 $0x2800, v29;
	v8 =	vand.u32 $0xFE00, v6;
	v32 =	vor.u32 $0x80, v9;
	v4 =	vld.idx.msk [tilespmem:v4+s2+$0x0], $0xffff  }
0x7a: {  	v6 =	vshll.u32 v28, $0x2;
	v20 =	vand.u32 $0x7FF80, v2;
	v2 =	vand.u32 $0xFE00, v17;
	v5 =	vld.idx.msk [tilespmem:v5+s2+$0x0], $0xffff  }
0x7b: {  	v22 =	vshll.u32 v21, $0x2;
	v23 =	vand.u32 $0x7F, v28;
	v6 =	vand.u32 $0xFE00, v6;
	v24 =	vld.idx.msk [tilespmem:v3+s2+$0x0], $0xffff  }
0x7c: {  	v33 =	vand.u32 $0x7F, v41;
	v17 =	vshrl.u32 v38, $0xE;
	v3 =	vshll.u32 v38, $0x2;
	v25 =	vld.idx.msk [tilespmem:v27+s2+$0x0], $0xffff  }
0x7d: {  	v34 =	vadd.s32 $0x2800, v17;
	v2 =	vor.u32 v19, v2;
	v6 =	vor.u32 v23, v6;
	[tilespmem:v11+s14+$0x0] =	vst.idx.add.f32.msk $0xffff, v1  }
0x7e: {  	v3 =	vand.u32 $0xFE00, v3;
	v1 =	vand.u32 $0x7F, v38;
	v11 =	vand.u32 $0xFE00, v22;
	[tilespmem:v7+s14+$0x0] =	vst.idx.add.f32.msk $0xffff, v15  }
0x7f: {  	v1 =	vor.u32 v1, v3;
	v7 =	vshll.u32 v14, $0x2;
	v3 =	vor.u32 v33, v8;
	[tilespmem:v26+s14+$0x0] =	vst.idx.add.f32.msk $0xffff, v4  }
0x80: {  	v8 =	vand.u32 $0x7F, v14;
	v4 =	vand.u32 $0x7F, v21;
	v7 =	vand.u32 $0xFE00, v7;
	[tilespmem:v13+s14+$0x0] =	vst.idx.add.f32.msk $0xffff, v5  }
0x81: {  	v5 =	vor.u32 v4, v11;
	v4 =	vor.u32 v8, v7;
	v7 =	vadd.s32 $0x2800, v16;
	[tilespmem:v10+s14+$0x0] =	vst.idx.add.f32.msk $0xffff, v24  }
0x82: {  	v36 =	vadd.s32 $0x5000, v16;
	v26 =	vadd.s32 $0x2800, v31;
	v33 =	vand.u32 $0x7FF80, v7;
	[tilespmem:v31+s14+$0x0] =	vst.idx.add.f32.msk $0xffff, v25  }
0x83: {  	v35 =	vand.u32 $0x7FF80, v18;
	v28 =	vshrl.u32 v28, $0xE;
	v25 =	vand.u32 $0x7FF80, v34;
	v23 =	vld.idx.msk [tilespmem:v6+s2+$0x0], $0xffff  }
0x84: {  	v7 =	vadd.s32 $0x2800, v28;
	v24 =	vadd.s32 $0x5000, v28;
	v34 =	vor.u32 $0x80, v6;
	v39 =	vld.idx.msk [tilespmem:v1+s2+$0x0], $0xffff  }
0x85: {  	v22 =	vadd.s32 $0x7800, v16;
	v13 =	vadd.s32 $0x7800, v28;
	v40 =	vand.u32 $0x7FF80, v7;
	v37 =	vld.idx.msk [tilespmem:v9+s2+$0x0], $0xffff  }
0x86: {  	v11 =	vadd.s32 $0x5000, v17;
	v8 =	vand.u32 $0x7F, v29;
	v7 =	vshrl.u32 v30, $0xE;
	v38 =	vld.idx.msk [tilespmem:v2+s2+$0x0], $0xffff  }
0x87: {  	v44 =	vor.u32 $0x80, v2;
	v20 =	vor.u32 v8, v20;
	v42 =	vld.idx.msk [tilespmem:v12+s2+$0x0], $0xffff;
	v12 =	vadd.s32 $0x2800, v7  }
0x88: {  	v10 =	vadd.s32 $0x7800, v29;
	v18 =	vadd.s32 $0x5000, v7;
	v43 =	vld.idx.msk [tilespmem:v3+s2+$0x0], $0xffff;
	v45 =	vand.u32 $0x7FF80, v12  }
0x89: {  	v19 =	vadd.s32 $0x5000, v29;
	v15 =	vadd.s32 $0x7800, v17;
	v47 =	vor.u32 $0x80, v4;
	v46 =	vld.idx.msk [tilespmem:v4+s2+$0x0], $0xffff  }
0x8a: {  	[tilespmem:v28+s14+$0x0] =	vst.idx.add.f32.msk $0xffff, v23;
	v23 =	vand.u32 $0x7F, v16  }
0x8b: {  	v48 =	vand.u32 $0x7F, v31;
	v12 =	vand.u32 $0x7FF80, v26;
	[tilespmem:v16+s14+$0x0] =	vst.idx.add.f32.msk $0xffff, v37;
	v26 =	vor.u32 v23, v33  }
0x8c: {  	v35 =	vor.u32 v48, v35;
	v50 =	vor.u32 $0x80, v5;
	v33 =	vor.u32 v48, v12;
	v49 =	vld.idx.msk [tilespmem:v5+s2+$0x0], $0xffff  }
0x8d: {  	v52 =	vor.u32 $0x100, v9;
	v30 =	vshrl.u32 v21, $0xE;
	v12 =	vand.u32 $0x7F, v7;
	v51 =	vld.idx.msk [tilespmem:v32+s2+$0x0], $0xffff  }
0x8e: {  	v41 =	vadd.s32 $0x2800, v30;
	v16 =	vadd.s32 $0x5000, v30;
	v32 =	vor.u32 v12, v45;
	[tilespmem:v29+s14+$0x0] =	vst.idx.add.f32.msk $0xffff, v43  }
0x8f: {  	v37 =	vand.u32 $0x7FF80, v16;
	v16 =	vadd.s32 $0x7800, v30;
	[tilespmem:v7+s14+$0x0] =	vst.idx.add.f32.msk $0xffff, v38  }
0x90: {  	v21 =	vld.idx.msk [tilespmem:v34+s2+$0x0], $0xffff  }
0x91: {  	[tilespmem:v33+s14+$0x0] =	vst.idx.add.f32.msk $0xffff, v42  }
0x92: {  	v33 =	vor.u32 $0x100, v27;
	v42 =	vor.u32 $0x80, v3;
	[tilespmem:v30+s14+$0x0] =	vst.idx.add.f32.msk $0xffff, v49  }
0x93: {  	[tilespmem:v26+s14+$0x0] =	vst.idx.add.f32.msk $0xffff, v51  }
0x94: {  	v29 =	vand.u32 $0x7F, v28;
	v49 =	vld.idx.msk [tilespmem:v52+s2+$0x0], $0xffff  }
0x95: {  	v43 =	vor.u32 v29, v40;
	v34 =	vshrl.u32 v14, $0xE;
	v14 =	vand.u32 $0x7FF80, v36;
	v38 =	vld.idx.msk [tilespmem:v50+s2+$0x0], $0xffff  }
0x96: {  	v36 =	vadd.s32 $0x7800, v34;
	v14 =	vor.u32 v23, v14;
	v26 =	vadd.s32 $0x2800, v34;
	[tilespmem:v17+s14+$0x0] =	vst.idx.add.f32.msk $0xffff, v39  }
0x97: {  	v50 =	vor.u32 $0x80, v1;
	v39 =	vand.u32 $0x7FF80, v26;
	v28 =	vld.idx.msk [tilespmem:v33+s2+$0x0], $0xffff;
	v33 =	vadd.s32 $0x5000, v34  }
0x98: {  	v26 =	vand.u32 $0x7FF80, v36;
	v36 =	vld.idx.msk [tilespmem:v42+s2+$0x0], $0xffff  }
.Ltmp1:
0x99: {  	v40 =	vld.idx.msk [tilespmem:v44+s2+$0x0], $0xffff;
	(pc) =	sbr.rel @p0 .LBB2_5-.Ltmp1, $4  }
0x9a: {  	v31 =	vadd.s32 $0x5000, v31;
	v44 =	vor.u32 $0x100, v6;
	[tilespmem:v34+s14+$0x0] =	vst.idx.add.f32.msk $0xffff, v46  }
0x9b: {  	v42 =	vand.u32 $0x7FF80, v31;
	v31 =	vld.idx.msk [tilespmem:v47+s2+$0x0], $0xffff  }
0x9c: {  	v45 =	vor.u32 v48, v42;
	v42 =	vld.idx.msk [tilespmem:v50+s2+$0x0], $0xffff  }
0x9d: {  	v27 =	vor.u32 $0x180, v27;
	[tilespmem:v14+s14+$0x0] =	vst.idx.add.f32.msk $0xffff, v49  }
0x9e: {  	_ =	sdelay $0x3  }
0x9f: {  	[tilespmem:v45+s14+$0x0] =	vst.idx.add.f32.msk $0xffff, v28  }
0xa0: {  	v9 =	vor.u32 $0x180, v9;
	[tilespmem:v43+s14+$0x0] =	vst.idx.add.f32.msk $0xffff, v21  }
0xa1: {  	v14 =	vld.idx.msk [tilespmem:v27+s2+$0x0], $0xffff  }
0xa2: {  	v28 =	vand.u32 $0x7FF80, v41;
	[tilespmem:v20+s14+$0x0] =	vst.idx.add.f32.msk $0xffff, v36;
	v20 =	vor.u32 $0x100, v3;
	v27 =	vand.u32 $0x7F, v30  }
0xa3: {  	v17 =	vand.u32 $0x7F, v17;
	[tilespmem:v32+s14+$0x0] =	vst.idx.add.f32.msk $0xffff, v40;
	v21 =	vor.u32 v27, v28  }
0xa4: {  	v25 =	vor.u32 v17, v25;
	v28 =	vld.idx.msk [tilespmem:v44+s2+$0x0], $0xffff  }
0xa5: {  	v24 =	vand.u32 $0x7FF80, v24;
	v30 =	vor.u32 $0x100, v5;
	v9 =	vld.idx.msk [tilespmem:v9+s2+$0x0], $0xffff  }
0xa6: {  	[tilespmem:v35+s14+$0x0] =	vst.idx.add.f32.msk $0xffff, v14;
	v14 =	vor.u32 v29, v24  }
0xa7: {  	v20 =	vld.idx.msk [tilespmem:v20+s2+$0x0], $0xffff;
	v24 =	vor.u32 $0x100, v2  }
0xa8: {  	v6 =	vor.u32 $0x180, v6;
	[tilespmem:v21+s14+$0x0] =	vst.idx.add.f32.msk $0xffff, v38;
	v21 =	vand.u32 $0x7FF80, v22  }
0xa9: {  	[tilespmem:v25+s14+$0x0] =	vst.idx.add.f32.msk $0xffff, v42;
	v21 =	vor.u32 v23, v21;
	v23 =	vand.u32 $0x7F, v34  }
0xaa: {  	v22 =	vld.idx.msk [tilespmem:v30+s2+$0x0], $0xffff;
	v25 =	vor.u32 v23, v39  }
0xab: {  	[tilespmem:v14+s14+$0x0] =	vst.idx.add.f32.msk $0xffff, v28;
	v14 =	vor.u32 $0x100, v1  }
0xac: {  	v18 =	vand.u32 $0x7FF80, v18;
	v24 =	vld.idx.msk [tilespmem:v24+s2+$0x0], $0xffff;
	v28 =	vor.u32 $0x100, v4  }
0xad: {  	v13 =	vand.u32 $0x7FF80, v13;
	v18 =	vor.u32 v12, v18;
	v6 =	vld.idx.msk [tilespmem:v6+s2+$0x0], $0xffff  }
0xae: {  	v13 =	vor.u32 v29, v13;
	[tilespmem:v21+s14+$0x0] =	vst.idx.add.f32.msk $0xffff, v9  }
0xaf: {  	v9 =	vor.u32 v27, v37;
	[tilespmem:v25+s14+$0x0] =	vst.idx.add.f32.msk $0xffff, v31  }
0xb0: {  	v11 =	vand.u32 $0x7FF80, v11;
	v2 =	vor.u32 $0x180, v2;
	v14 =	vld.idx.msk [tilespmem:v14+s2+$0x0], $0xffff  }
0xb1: {  	v11 =	vor.u32 v17, v11;
	v21 =	vld.idx.msk [tilespmem:v28+s2+$0x0], $0xffff  }
0xb2: {  	v1 =	vor.u32 $0x180, v1;
	v25 =	vand.u32 $0x7FF80, v33;
	[tilespmem:v18+s14+$0x0] =	vst.idx.add.f32.msk $0xffff, v24  }
0xb3: {  	[tilespmem:v13+s14+$0x0] =	vst.idx.add.f32.msk $0xffff, v6;
	v6 =	vor.u32 v23, v25  }
0xb4: {  	v4 =	vor.u32 $0x180, v4;
	[tilespmem:v9+s14+$0x0] =	vst.idx.add.f32.msk $0xffff, v22;
	v9 =	vand.u32 $0x7FF80, v19  }
0xb5: {  	v2 =	vld.idx.msk [tilespmem:v2+s2+$0x0], $0xffff;
	v9 =	vor.u32 v8, v9  }
0xb6: {  	v5 =	vor.u32 $0x180, v5;
	[tilespmem:v11+s14+$0x0] =	vst.idx.add.f32.msk $0xffff, v14  }
0xb7: {  	v3 =	vor.u32 $0x180, v3;
	v7 =	vadd.s32 $0x7800, v7;
	v11 =	vand.u32 $0x7FF80, v15;
	v1 =	vld.idx.msk [tilespmem:v1+s2+$0x0], $0xffff  }
0xb8: {  	v7 =	vand.u32 $0x7FF80, v7;
	v11 =	vor.u32 v17, v11;
	[tilespmem:v6+s14+$0x0] =	vst.idx.add.f32.msk $0xffff, v21  }
0xb9: {  	v6 =	vor.u32 v12, v7;
	v4 =	vld.idx.msk [tilespmem:v4+s2+$0x0], $0xffff  }
0xba: {  	v7 =	vor.u32 v23, v26;
	[tilespmem:v9+s14+$0x0] =	vst.idx.add.f32.msk $0xffff, v20;
	v9 =	vand.u32 $0x7FF80, v16  }
0xbb: {  	v10 =	vand.u32 $0x7FF80, v10;
	s19 =	sshll.u32 s18, $0x1;
	v5 =	vld.idx.msk [tilespmem:v5+s2+$0x0], $0xffff;
	v9 =	vor.u32 v27, v9  }
0xbc: {  	s19 =	smin.u32 s19, $0x60;
	v8 =	vor.u32 v8, v10;
	v3 =	vld.idx.msk [tilespmem:v3+s2+$0x0], $0xffff  }
0xbd: {  	s19 =	smul.u32 $0xC80, s19;
	[tilespmem:v11+s14+$0x0] =	vst.idx.add.f32.msk $0xffff, v1  }
0xbe: {  	[tilespmem:v6+s14+$0x0] =	vst.idx.add.f32.msk $0xffff, v2  }
0xbf: {  	s19 =	sshrl.u32 s19, $0x3;
	[tilespmem:v7+s14+$0x0] =	vst.idx.add.f32.msk $0xffff, v4  }
0xc0: {  	s19 =	sadd.s32 s3, s19;
	[tilespmem:v9+s14+$0x0] =	vst.idx.add.f32.msk $0xffff, v5  }
0xc1: {  	s19 =	sadd.s32 $0x320, s19;
	[tilespmem:v8+s14+$0x0] =	vst.idx.add.f32.msk $0xffff, v3  }
0xc2: {  	[tilespmem:s8], [sflag:$0x1] =	stream.linear.gather [hbm4b:s19+s2], $0xC80, $0x38;
	[tilespmem:$0x1F900] =	vst v63  }
0xc3: {  	_ =	swait.ge [sflag:s15], $0xC80  }
0xc4: {  	[sflag:s15] =	ssyncset.done $0x0  }
0xc5: {  	s19 =	simm.s32 $0x1ECC0;
	[sflag:s15] =	ssyncadd.s32 $0xFFFFF380  }
0xc6: {  	v1 =	vld [tilespmem:s19+$0xFFFFFFC0]  }
0xc7: {  	v5 =	vld [tilespmem:s19+$0xFFFFFFF0]  }
0xc8: {  	v7 =	vld [tilespmem:s19+$0x30]  }
0xc9: {  	v8 =	vld [tilespmem:s19+$0xFFFFFFD0];
	_ =	sdelay $0x1  }
0xca: {  	v2 =	vshll.u32 v1, $0x2  }
0xcb: {  	v10 =	vld [tilespmem:s19+$0x20];
	v3 =	vand.u32 $0x7F, v1;
	v26 =	vshrl.u32 v1, $0xE;
	v2 =	vand.u32 $0xFE00, v2  }
0xcc: {  	v11 =	vld [tilespmem:s19+$0x10];
	v1 =	vshll.u32 v7, $0x2;
	v14 =	vor.u32 v3, v2;
	v3 =	vshll.u32 v5, $0x2  }
0xcd: {  	v4 =	vand.u32 $0x7F, v5;
	v9 =	vshll.u32 v8, $0x2;
	v3 =	vand.u32 $0xFE00, v3  }
0xce: {  	v6 =	vor.u32 v4, v3;
	v3 =	vand.u32 $0x7F, v8;
	v4 =	vand.u32 $0xFE00, v9  }
0xcf: {  	v2 =	vand.u32 $0x7F, v7;
	v9 =	vand.u32 $0xFE00, v1;
	v1 =	vor.u32 v3, v4  }
0xd0: {  	v12 =	vld [tilespmem:s19+$0x0];
	v15 =	vshll.u32 v10, $0x2;
	v9 =	vor.u32 v2, v9  }
0xd1: {  	v3 =	vand.u32 $0x7F, v10;
	v2 =	vand.u32 $0xFE00, v15;
	v4 =	vshll.u32 v11, $0x2;
	v13 =	vld.idx.msk [tilespmem:v14+s2+$0x0], $0xffff  }
0xd2: {  	v2 =	vor.u32 v3, v2;
	v3 =	vand.u32 $0xFE00, v4;
	v4 =	vand.u32 $0x7F, v11  }
0xd3: {  	v16 =	vld [tilespmem:s19+$0xFFFFFFE0];
	v3 =	vor.u32 v4, v3  }
0xd4: {  	v15 =	vor.u32 $0x80, v14;
	v27 =	vld.idx.msk [tilespmem:v1+s2+$0x0], $0xffff  }
0xd5: {  	v18 =	vld.idx.msk [tilespmem:v9+s2+$0x0], $0xffff  }
0xd6: {  	v17 =	vshll.u32 v12, $0x2;
	v19 =	vshrl.u32 v7, $0xE;
	[tilespmem:v26+s14+$0x0] =	vst.idx.add.f32.msk $0xffff, v13  }
0xd7: {  	v28 =	vshrl.u32 v11, $0xE;
	v11 =	vor.u32 $0x80, v9;
	v13 =	vand.u32 $0xFE00, v17;
	v17 =	vld.idx.msk [tilespmem:v6+s2+$0x0], $0xffff  }
0xd8: {  	v29 =	vshrl.u32 v5, $0xE;
	v4 =	vand.u32 $0x7F, v12;
	v20 =	vld.idx.msk [tilespmem:v3+s2+$0x0], $0xffff  }
0xd9: {  	v4 =	vor.u32 v4, v13;
	v13 =	vshll.u32 v16, $0x2;
	v15 =	vld.idx.msk [tilespmem:v15+s2+$0x0], $0xffff  }
0xda: {  	v30 =	vshrl.u32 v16, $0xE;
	v5 =	vand.u32 $0xFE00, v13;
	v13 =	vld.idx.msk [tilespmem:v2+s2+$0x0], $0xffff  }
0xdb: {  	v22 =	vadd.s32 $0x2800, v26;
	v7 =	vand.u32 $0x7F, v16;
	v59 =	vor.u32 $0x80, v3;
	[tilespmem:v19+s14+$0x0] =	vst.idx.add.f32.msk $0xffff, v18  }
0xdc: {  	v45 =	vand.u32 $0x7F, v26;
	v22 =	vand.u32 $0x7FF80, v22;
	v5 =	vor.u32 v7, v5;
	v16 =	vld.idx.msk [tilespmem:v11+s2+$0x0], $0xffff  }
0xdd: {  	v34 =	vshrl.u32 v12, $0xE;
	v7 =	vadd.s32 $0x2800, v28;
	v18 =	vor.u32 v45, v22;
	[tilespmem:v29+s14+$0x0] =	vst.idx.add.f32.msk $0xffff, v17  }
0xde: {  	v21 =	vadd.s32 $0x7800, v26;
	v50 =	vand.u32 $0x7FF80, v7;
	v7 =	vshrl.u32 v10, $0xE;
	[tilespmem:v28+s14+$0x0] =	vst.idx.add.f32.msk $0xffff, v20  }
0xdf: {  	v23 =	vand.u32 $0x7F, v19;
	v52 =	vadd.s32 $0x5000, v19;
	v10 =	vor.u32 $0x80, v6;
	v31 =	vld.idx.msk [tilespmem:v4+s2+$0x0], $0xffff  }
0xe0: {  	v24 =	vadd.s32 $0x5000, v29;
	v41 =	vadd.s32 $0x2800, v30;
	v58 =	vor.u32 $0x100, v14;
	v36 =	vld.idx.msk [tilespmem:v59+s2+$0x0], $0xffff  }
0xe1: {  	v63 =	vadd.s32 $0x5000, v30;
	v48 =	vadd.s32 $0x7800, v34;
	v17 =	vshrl.u32 v8, $0xE;
	v51 =	vld.idx.msk [tilespmem:v5+s2+$0x0], $0xffff  }
0xe2: {  	v54 =	vand.u32 $0x7FF80, v21;
	v55 =	vor.u32 $0x100, v9;
	v8 =	vadd.s32 $0x2800, v19;
	[tilespmem:v18+s14+$0x0] =	vst.idx.add.f32.msk $0xffff, v15  }
0xe3: {  	v62 =	vor.u32 $0x80, v1;
	v22 =	vadd.s32 $0x7800, v19;
	v8 =	vand.u32 $0x7FF80, v8;
	[tilespmem:v7+s14+$0x0] =	vst.idx.add.f32.msk $0xffff, v13  }
0xe4: {  	v19 =	vadd.s32 $0x5000, v28;
	v53 =	vor.u32 v23, v8;
	v8 =	vadd.s32 $0x2800, v29;
	v21 =	vld.idx.msk [tilespmem:v10+s2+$0x0], $0xffff  }
0xe5: {  	v57 =	vand.u32 $0x7FF80, v8;
	v8 =	vand.u32 $0x7F, v28;
	v10 =	vadd.s32 $0x7800, v28;
	v28 =	vld.idx.msk [tilespmem:v58+s2+$0x0], $0xffff  }
0xe6: {  	v33 =	vadd.s32 $0x5000, v34;
	v37 =	vand.u32 $0x7FF80, v63;
	v61 =	vor.u32 $0x80, v4;
	[tilespmem:v17+s14+$0x0] =	vst.idx.add.f32.msk $0xffff, v27  }
0xe7: {  	v35 =	vor.u32 v45, v54;
	v44 =	vor.u32 $0x100, v6;
	v11 =	vadd.s32 $0x2800, v17;
	[tilespmem:v34+s14+$0x0] =	vst.idx.add.f32.msk $0xffff, v31  }
0xe8: {  	v56 =	vor.u32 $0x80, v5;
	v12 =	vand.u32 $0x7F, v7;
	v25 =	vand.u32 $0x7FF80, v11;
	v42 =	vld.idx.msk [tilespmem:v62+s2+$0x0], $0xffff  }
0xe9: {  	v11 =	vadd.s32 $0x5000, v17;
	v27 =	vand.u32 $0x7FF80, v52;
	[tilespmem:v53+s14+$0x0] =	vst.idx.add.f32.msk $0xffff, v16;
	v16 =	vor.u32 $0x80, v2  }
0xea: {  	v13 =	vadd.s32 $0x7800, v29;
	v29 =	vand.u32 $0x7F, v29;
	v47 =	vor.u32 v23, v27;
	v46 =	vld.idx.msk [tilespmem:v55+s2+$0x0], $0xffff  }
0xeb: {  	v15 =	vadd.s32 $0x2800, v7;
	v43 =	vor.u32 v29, v57;
	v27 =	vadd.s32 $0x2800, v34;
	v31 =	vld.idx.msk [tilespmem:v61+s2+$0x0], $0xffff  }
0xec: {  	v18 =	vadd.s32 $0x5000, v7;
	v39 =	vand.u32 $0x7FF80, v27;
	v27 =	vadd.s32 $0x5000, v26;
	[tilespmem:v30+s14+$0x0] =	vst.idx.add.f32.msk $0xffff, v51  }
0xed: {  	v20 =	vor.u32 v8, v50;
	v60 =	vand.u32 $0x7FF80, v15;
	v27 =	vand.u32 $0x7FF80, v27;
	v38 =	vld.idx.msk [tilespmem:v56+s2+$0x0], $0xffff  }
0xee: {  	v15 =	vadd.s32 $0x7800, v17;
	v32 =	vor.u32 v12, v60;
	v45 =	vor.u32 v45, v27;
	v40 =	vld.idx.msk [tilespmem:v16+s2+$0x0], $0xffff  }
0xef: {  	s20 =	simm.s32 $0x0;
	v26 =	vand.u32 $0x7FF80, v48;
	v27 =	vor.u32 $0x180, v14;
	v16 =	vadd.s32 $0x7800, v30;
	[tilespmem:v47+s14+$0x0] =	vst.idx.add.f32.msk $0xffff, v46  }
.LBB2_7:
0xf0: {  	s20 =	sadd.s32 $0x80, s20;
	[tilespmem:v43+s14+$0x0] =	vst.idx.add.f32.msk $0xffff, v21;
	s19 =	sadd.s32 $0x80, s19  }
0xf1: {  	p0 =	slt.u32 s20, $0xC00;
	v43 =	vld.idx.msk [tilespmem:v44+s2+$0x0], $0xffff  }
0xf2: {  	v14 =	vld [tilespmem:s19+$0x0]  }
0xf3: {  	[tilespmem:v45+s14+$0x0] =	vst.idx.add.f32.msk $0xffff, v28  }
0xf4: {  	v27 =	vld.idx.msk [tilespmem:v27+s2+$0x0], $0xffff  }
0xf5: {  	v21 =	vld [tilespmem:s19+$0xFFFFFFE0]  }
0xf6: {  	v17 =	vand.u32 $0x7F, v17;
	v28 =	vld [tilespmem:s19+$0xFFFFFFF0]  }
0xf7: {  	v25 =	vor.u32 v17, v25;
	v44 =	vld [tilespmem:s19+$0x30]  }
0xf8: {  	v46 =	vand.u32 $0x7F, v30;
	v30 =	vand.u32 $0x7FF80, v41;
	v9 =	vor.u32 $0x180, v9;
	v45 =	vld [tilespmem:s19+$0xFFFFFFC0]  }
0xf9: {  	v47 =	vor.u32 v46, v30;
	v37 =	vor.u32 v46, v37;
	v41 =	vld [tilespmem:s19+$0x10]  }
0xfa: {  	[tilespmem:v35+s14+$0x0] =	vst.idx.add.f32.msk $0xffff, v27  }
0xfb: {  	v24 =	vand.u32 $0x7FF80, v24;
	v27 =	vor.u32 $0x100, v5;
	v30 =	vld [tilespmem:s19+$0x20]  }
0xfc: {  	v24 =	vor.u32 v29, v24;
	[tilespmem:v25+s14+$0x0] =	vst.idx.add.f32.msk $0xffff, v42  }
0xfd: {  	v9 =	vld.idx.msk [tilespmem:v9+s2+$0x0], $0xffff  }
0xfe: {  	v35 =	vor.u32 $0x100, v2;
	v25 =	vshll.u32 v45, $0x2;
	[tilespmem:v47+s14+$0x0] =	vst.idx.add.f32.msk $0xffff, v38  }
0xff: {  	v22 =	vand.u32 $0x7FF80, v22;
	v25 =	vand.u32 $0xFE00, v25;
	v38 =	vld [tilespmem:s19+$0xFFFFFFD0]  }
0x100: {  	v22 =	vor.u32 v23, v22;
	v27 =	vld.idx.msk [tilespmem:v27+s2+$0x0], $0xffff  }
0x101: {  	v6 =	vor.u32 $0x180, v6;
	[tilespmem:v24+s14+$0x0] =	vst.idx.add.f32.msk $0xffff, v43  }
0x102: {  	v23 =	vor.u32 $0x100, v1;
	v24 =	vand.u32 $0x7F, v34;
	[tilespmem:v32+s14+$0x0] =	vst.idx.add.f32.msk $0xffff, v40  }
0x103: {  	v32 =	vor.u32 v24, v39;
	v34 =	vld.idx.msk [tilespmem:v35+s2+$0x0], $0xffff  }
0x104: {  	v35 =	vor.u32 $0x100, v4;
	[tilespmem:v20+s14+$0x0] =	vst.idx.add.f32.msk $0xffff, v36  }
0x105: {  	v20 =	vor.u32 $0x100, v3;
	[tilespmem:v22+s14+$0x0] =	vst.idx.add.f32.msk $0xffff, v9  }
0x106: {  	v13 =	vand.u32 $0x7FF80, v13;
	v9 =	vand.u32 $0x7FF80, v15;
	v15 =	vand.u32 $0x7FF80, v19;
	v6 =	vld.idx.msk [tilespmem:v6+s2+$0x0], $0xffff  }
0x107: {  	v18 =	vand.u32 $0x7FF80, v18;
	v13 =	vor.u32 v29, v13;
	v3 =	vor.u32 $0x180, v3;
	v19 =	vld.idx.msk [tilespmem:v23+s2+$0x0], $0xffff  }
0x108: {  	v10 =	vand.u32 $0x7FF80, v10;
	v18 =	vor.u32 v12, v18;
	v22 =	vand.u32 $0x7FF80, v33;
	[tilespmem:v32+s14+$0x0] =	vst.idx.add.f32.msk $0xffff, v31  }
0x109: {  	v11 =	vand.u32 $0x7FF80, v11;
	v10 =	vor.u32 v8, v10;
	v2 =	vor.u32 $0x180, v2;
	v23 =	vld.idx.msk [tilespmem:v35+s2+$0x0], $0xffff  }
0x10a: {  	v11 =	vor.u32 v17, v11;
	v5 =	vor.u32 $0x180, v5;
	v4 =	vor.u32 $0x180, v4;
	v20 =	vld.idx.msk [tilespmem:v20+s2+$0x0], $0xffff  }
0x10b: {  	v7 =	vadd.s32 $0x7800, v7;
	v1 =	vor.u32 $0x180, v1;
	v26 =	vor.u32 v24, v26;
	[tilespmem:v37+s14+$0x0] =	vst.idx.add.f32.msk $0xffff, v27  }
0x10c: {  	v7 =	vand.u32 $0x7FF80, v7;
	v27 =	vand.u32 $0x7F, v45;
	[tilespmem:v13+s14+$0x0] =	vst.idx.add.f32.msk $0xffff, v6;
	v6 =	vor.u32 v24, v22  }
0x10d: {  	v8 =	vor.u32 v8, v15;
	v27 =	vor.u32 v27, v25;
	v13 =	vand.u32 $0x7FF80, v16;
	[tilespmem:v18+s14+$0x0] =	vst.idx.add.f32.msk $0xffff, v34  }
0x10e: {  	v7 =	vor.u32 v12, v7;
	v16 =	vshrl.u32 v44, $0xE;
	v13 =	vor.u32 v46, v13;
	v15 =	vld.idx.msk [tilespmem:v2+s2+$0x0], $0xffff  }
0x10f: {  	v31 =	vshrl.u32 v45, $0xE;
	v12 =	vor.u32 $0x80, v27;
	[tilespmem:v11+s14+$0x0] =	vst.idx.add.f32.msk $0xffff, v19;
	v11 =	vor.u32 v17, v9  }
0x110: {  	v18 =	vadd.s32 $0x7800, v31;
	v2 =	vand.u32 $0x7F, v44;
	v9 =	vshll.u32 v44, $0x2;
	v1 =	vld.idx.msk [tilespmem:v1+s2+$0x0], $0xffff  }
0x111: {  	v19 =	vand.u32 $0x7F, v30;
	v17 =	vshll.u32 v30, $0x2;
	v9 =	vand.u32 $0xFE00, v9;
	[tilespmem:v6+s14+$0x0] =	vst.idx.add.f32.msk $0xffff, v23  }
0x112: {  	v29 =	vshrl.u32 v41, $0xE;
	v6 =	vshll.u32 v41, $0x2;
	v9 =	vor.u32 v2, v9;
	[tilespmem:v8+s14+$0x0] =	vst.idx.add.f32.msk $0xffff, v20  }
0x113: {  	v2 =	vadd.s32 $0x2800, v29;
	v8 =	vand.u32 $0xFE00, v6;
	v32 =	vor.u32 $0x80, v9;
	v4 =	vld.idx.msk [tilespmem:v4+s2+$0x0], $0xffff  }
0x114: {  	v6 =	vshll.u32 v28, $0x2;
	v20 =	vand.u32 $0x7FF80, v2;
	v2 =	vand.u32 $0xFE00, v17;
	v5 =	vld.idx.msk [tilespmem:v5+s2+$0x0], $0xffff  }
0x115: {  	v22 =	vshll.u32 v21, $0x2;
	v23 =	vand.u32 $0x7F, v28;
	v6 =	vand.u32 $0xFE00, v6;
	v24 =	vld.idx.msk [tilespmem:v3+s2+$0x0], $0xffff  }
0x116: {  	v33 =	vand.u32 $0x7F, v41;
	v17 =	vshrl.u32 v38, $0xE;
	v3 =	vshll.u32 v38, $0x2;
	v25 =	vld.idx.msk [tilespmem:v27+s2+$0x0], $0xffff  }
0x117: {  	v34 =	vadd.s32 $0x2800, v17;
	v2 =	vor.u32 v19, v2;
	v6 =	vor.u32 v23, v6;
	[tilespmem:v11+s14+$0x0] =	vst.idx.add.f32.msk $0xffff, v1  }
0x118: {  	v3 =	vand.u32 $0xFE00, v3;
	v1 =	vand.u32 $0x7F, v38;
	v11 =	vand.u32 $0xFE00, v22;
	[tilespmem:v7+s14+$0x0] =	vst.idx.add.f32.msk $0xffff, v15  }
0x119: {  	v1 =	vor.u32 v1, v3;
	v7 =	vshll.u32 v14, $0x2;
	v3 =	vor.u32 v33, v8;
	[tilespmem:v26+s14+$0x0] =	vst.idx.add.f32.msk $0xffff, v4  }
0x11a: {  	v8 =	vand.u32 $0x7F, v14;
	v4 =	vand.u32 $0x7F, v21;
	v7 =	vand.u32 $0xFE00, v7;
	[tilespmem:v13+s14+$0x0] =	vst.idx.add.f32.msk $0xffff, v5  }
0x11b: {  	v5 =	vor.u32 v4, v11;
	v4 =	vor.u32 v8, v7;
	v7 =	vadd.s32 $0x2800, v16;
	[tilespmem:v10+s14+$0x0] =	vst.idx.add.f32.msk $0xffff, v24  }
0x11c: {  	v36 =	vadd.s32 $0x5000, v16;
	v26 =	vadd.s32 $0x2800, v31;
	v33 =	vand.u32 $0x7FF80, v7;
	[tilespmem:v31+s14+$0x0] =	vst.idx.add.f32.msk $0xffff, v25  }
0x11d: {  	v35 =	vand.u32 $0x7FF80, v18;
	v28 =	vshrl.u32 v28, $0xE;
	v25 =	vand.u32 $0x7FF80, v34;
	v23 =	vld.idx.msk [tilespmem:v6+s2+$0x0], $0xffff  }
0x11e: {  	v7 =	vadd.s32 $0x2800, v28;
	v24 =	vadd.s32 $0x5000, v28;
	v34 =	vor.u32 $0x80, v6;
	v39 =	vld.idx.msk [tilespmem:v1+s2+$0x0], $0xffff  }
0x11f: {  	v22 =	vadd.s32 $0x7800, v16;
	v13 =	vadd.s32 $0x7800, v28;
	v40 =	vand.u32 $0x7FF80, v7;
	v37 =	vld.idx.msk [tilespmem:v9+s2+$0x0], $0xffff  }
0x120: {  	v11 =	vadd.s32 $0x5000, v17;
	v8 =	vand.u32 $0x7F, v29;
	v7 =	vshrl.u32 v30, $0xE;
	v38 =	vld.idx.msk [tilespmem:v2+s2+$0x0], $0xffff  }
0x121: {  	v44 =	vor.u32 $0x80, v2;
	v20 =	vor.u32 v8, v20;
	v42 =	vld.idx.msk [tilespmem:v12+s2+$0x0], $0xffff;
	v12 =	vadd.s32 $0x2800, v7  }
0x122: {  	v10 =	vadd.s32 $0x7800, v29;
	v18 =	vadd.s32 $0x5000, v7;
	v43 =	vld.idx.msk [tilespmem:v3+s2+$0x0], $0xffff;
	v45 =	vand.u32 $0x7FF80, v12  }
0x123: {  	v19 =	vadd.s32 $0x5000, v29;
	v15 =	vadd.s32 $0x7800, v17;
	v47 =	vor.u32 $0x80, v4;
	v46 =	vld.idx.msk [tilespmem:v4+s2+$0x0], $0xffff  }
0x124: {  	[tilespmem:v28+s14+$0x0] =	vst.idx.add.f32.msk $0xffff, v23;
	v23 =	vand.u32 $0x7F, v16  }
0x125: {  	v48 =	vand.u32 $0x7F, v31;
	v12 =	vand.u32 $0x7FF80, v26;
	[tilespmem:v16+s14+$0x0] =	vst.idx.add.f32.msk $0xffff, v37;
	v26 =	vor.u32 v23, v33  }
0x126: {  	v35 =	vor.u32 v48, v35;
	v50 =	vor.u32 $0x80, v5;
	v33 =	vor.u32 v48, v12;
	v49 =	vld.idx.msk [tilespmem:v5+s2+$0x0], $0xffff  }
0x127: {  	v52 =	vor.u32 $0x100, v9;
	v30 =	vshrl.u32 v21, $0xE;
	v12 =	vand.u32 $0x7F, v7;
	v51 =	vld.idx.msk [tilespmem:v32+s2+$0x0], $0xffff  }
0x128: {  	v41 =	vadd.s32 $0x2800, v30;
	v16 =	vadd.s32 $0x5000, v30;
	v32 =	vor.u32 v12, v45;
	[tilespmem:v29+s14+$0x0] =	vst.idx.add.f32.msk $0xffff, v43  }
0x129: {  	v37 =	vand.u32 $0x7FF80, v16;
	v16 =	vadd.s32 $0x7800, v30;
	[tilespmem:v7+s14+$0x0] =	vst.idx.add.f32.msk $0xffff, v38  }
0x12a: {  	v21 =	vld.idx.msk [tilespmem:v34+s2+$0x0], $0xffff  }
0x12b: {  	[tilespmem:v33+s14+$0x0] =	vst.idx.add.f32.msk $0xffff, v42  }
0x12c: {  	v33 =	vor.u32 $0x100, v27;
	v42 =	vor.u32 $0x80, v3;
	[tilespmem:v30+s14+$0x0] =	vst.idx.add.f32.msk $0xffff, v49  }
0x12d: {  	[tilespmem:v26+s14+$0x0] =	vst.idx.add.f32.msk $0xffff, v51  }
0x12e: {  	v29 =	vand.u32 $0x7F, v28;
	v49 =	vld.idx.msk [tilespmem:v52+s2+$0x0], $0xffff  }
0x12f: {  	v43 =	vor.u32 v29, v40;
	v34 =	vshrl.u32 v14, $0xE;
	v14 =	vand.u32 $0x7FF80, v36;
	v38 =	vld.idx.msk [tilespmem:v50+s2+$0x0], $0xffff  }
0x130: {  	v36 =	vadd.s32 $0x7800, v34;
	v14 =	vor.u32 v23, v14;
	v26 =	vadd.s32 $0x2800, v34;
	[tilespmem:v17+s14+$0x0] =	vst.idx.add.f32.msk $0xffff, v39  }
0x131: {  	v50 =	vor.u32 $0x80, v1;
	v39 =	vand.u32 $0x7FF80, v26;
	v28 =	vld.idx.msk [tilespmem:v33+s2+$0x0], $0xffff;
	v33 =	vadd.s32 $0x5000, v34  }
0x132: {  	v26 =	vand.u32 $0x7FF80, v36;
	v36 =	vld.idx.msk [tilespmem:v42+s2+$0x0], $0xffff  }
.Ltmp2:
0x133: {  	v40 =	vld.idx.msk [tilespmem:v44+s2+$0x0], $0xffff;
	(pc) =	sbr.rel @p0 .LBB2_7-.Ltmp2, $4  }
0x134: {  	v31 =	vadd.s32 $0x5000, v31;
	v44 =	vor.u32 $0x100, v6;
	[tilespmem:v34+s14+$0x0] =	vst.idx.add.f32.msk $0xffff, v46  }
0x135: {  	v42 =	vand.u32 $0x7FF80, v31;
	v31 =	vld.idx.msk [tilespmem:v47+s2+$0x0], $0xffff  }
0x136: {  	v45 =	vor.u32 v48, v42;
	v42 =	vld.idx.msk [tilespmem:v50+s2+$0x0], $0xffff  }
0x137: {  	v27 =	vor.u32 $0x180, v27;
	[tilespmem:v14+s14+$0x0] =	vst.idx.add.f32.msk $0xffff, v49  }
0x138: {  	_ =	sdelay $0x3  }
0x139: {  	[tilespmem:v45+s14+$0x0] =	vst.idx.add.f32.msk $0xffff, v28  }
0x13a: {  	v9 =	vor.u32 $0x180, v9;
	[tilespmem:v43+s14+$0x0] =	vst.idx.add.f32.msk $0xffff, v21  }
0x13b: {  	[tilespmem:v32+s14+$0x0] =	vst.idx.add.f32.msk $0xffff, v40;
	v51 =	vor.u32 $0x100, v3  }
0x13c: {  	v17 =	vand.u32 $0x7F, v17;
	v14 =	vld.idx.msk [tilespmem:v27+s2+$0x0], $0xffff  }
0x13d: {  	v24 =	vand.u32 $0x7FF80, v24;
	[tilespmem:v20+s14+$0x0] =	vst.idx.add.f32.msk $0xffff, v36;
	v25 =	vor.u32 v17, v25  }
0x13e: {  	v63 =	vld.idx.msk [tilespmem:v44+s2+$0x0], $0xffff;
	v43 =	vor.u32 v29, v24  }
0x13f: {  	v48 =	vand.u32 $0x7F, v34;
	v44 =	vor.u32 $0x100, v2;
	v9 =	vld.idx.msk [tilespmem:v9+s2+$0x0], $0xffff  }
0x140: {  	v61 =	vand.u32 $0x7FF80, v41;
	v27 =	vand.u32 $0x7F, v30;
	v49 =	vor.u32 v48, v39;
	v20 =	vld.idx.msk [tilespmem:v51+s2+$0x0], $0xffff  }
0x141: {  	v62 =	vor.u32 v27, v61;
	[tilespmem:v35+s14+$0x0] =	vst.idx.add.f32.msk $0xffff, v14  }
0x142: {  	v6 =	vor.u32 $0x180, v6;
	[tilespmem:v25+s14+$0x0] =	vst.idx.add.f32.msk $0xffff, v42  }
0x143: {  	v47 =	vor.u32 $0x100, v1;
	[tilespmem:v43+s14+$0x0] =	vst.idx.add.f32.msk $0xffff, v63  }
0x144: {  	v50 =	vor.u32 $0x100, v4;
	v24 =	vld.idx.msk [tilespmem:v44+s2+$0x0], $0xffff  }
0x145: {  	v41 =	vor.u32 $0x100, v5;
	v45 =	vand.u32 $0x7FF80, v22;
	[tilespmem:v49+s14+$0x0] =	vst.idx.add.f32.msk $0xffff, v31  }
0x146: {  	v18 =	vand.u32 $0x7FF80, v18;
	v21 =	vor.u32 v23, v45;
	[tilespmem:v62+s14+$0x0] =	vst.idx.add.f32.msk $0xffff, v38  }
0x147: {  	v13 =	vand.u32 $0x7FF80, v13;
	v18 =	vor.u32 v12, v18;
	v6 =	vld.idx.msk [tilespmem:v6+s2+$0x0], $0xffff  }
0x148: {  	v13 =	vor.u32 v29, v13;
	v14 =	vld.idx.msk [tilespmem:v47+s2+$0x0], $0xffff  }
0x149: {  	v11 =	vand.u32 $0x7FF80, v11;
	v2 =	vor.u32 $0x180, v2;
	v53 =	vld.idx.msk [tilespmem:v50+s2+$0x0], $0xffff  }
0x14a: {  	v54 =	vand.u32 $0x7FF80, v33;
	v11 =	vor.u32 v17, v11;
	v46 =	vld.idx.msk [tilespmem:v41+s2+$0x0], $0xffff  }
0x14b: {  	v56 =	vor.u32 v48, v54;
	[tilespmem:v21+s14+$0x0] =	vst.idx.add.f32.msk $0xffff, v9  }
0x14c: {  	v52 =	vor.u32 v27, v37;
	[tilespmem:v18+s14+$0x0] =	vst.idx.add.f32.msk $0xffff, v24  }
0x14d: {  	v1 =	vor.u32 $0x180, v1;
	[tilespmem:v13+s14+$0x0] =	vst.idx.add.f32.msk $0xffff, v6  }
0x14e: {  	v57 =	vor.u32 $0x180, v4;
	v2 =	vld.idx.msk [tilespmem:v2+s2+$0x0], $0xffff  }
0x14f: {  	v55 =	vand.u32 $0x7FF80, v19;
	v58 =	vor.u32 $0x180, v5;
	[tilespmem:v11+s14+$0x0] =	vst.idx.add.f32.msk $0xffff, v14  }
0x150: {  	v7 =	vadd.s32 $0x7800, v7;
	v9 =	vor.u32 v8, v55;
	[tilespmem:v56+s14+$0x0] =	vst.idx.add.f32.msk $0xffff, v53  }
0x151: {  	v3 =	vor.u32 $0x180, v3;
	v7 =	vand.u32 $0x7FF80, v7;
	[tilespmem:v52+s14+$0x0] =	vst.idx.add.f32.msk $0xffff, v46  }
0x152: {  	v59 =	vand.u32 $0x7FF80, v15;
	v60 =	vor.u32 v12, v7;
	v1 =	vld.idx.msk [tilespmem:v1+s2+$0x0], $0xffff  }
0x153: {  	v11 =	vor.u32 v17, v59;
	v4 =	vld.idx.msk [tilespmem:v57+s2+$0x0], $0xffff  }
0x154: {  	v61 =	vor.u32 v48, v26;
	v62 =	vand.u32 $0x7FF80, v16;
	v5 =	vld.idx.msk [tilespmem:v58+s2+$0x0], $0xffff  }
0x155: {  	v10 =	vand.u32 $0x7FF80, v10;
	s18 =	sadd.s32 $0x1, s18;
	[tilespmem:v9+s14+$0x0] =	vst.idx.add.f32.msk $0xffff, v20;
	v9 =	vor.u32 v27, v62  }
0x156: {  	p0 =	sne.s32 s18, $0x32;
	v63 =	vor.u32 v8, v10;
	v3 =	vld.idx.msk [tilespmem:v3+s2+$0x0], $0xffff  }
.Ltmp3:
0x157: {  	[tilespmem:v60+s14+$0x0] =	vst.idx.add.f32.msk $0xffff, v2;
	(pc) =	sbr.rel @p0 .LBB2_4-.Ltmp3, $4  }
0x158: {  	[tilespmem:v11+s14+$0x0] =	vst.idx.add.f32.msk $0xffff, v1  }
0x159: {  	[tilespmem:v61+s14+$0x0] =	vst.idx.add.f32.msk $0xffff, v4  }
0x15a: {  	[tilespmem:v9+s14+$0x0] =	vst.idx.add.f32.msk $0xffff, v5  }
0x15b: {  	[tilespmem:v63+s14+$0x0] =	vst.idx.add.f32.msk $0xffff, v3  }
0x15c: {  	_ =	swait.ge [sflag:s13], $0xC80  }
0x15d: {  	[sflag:s13] =	ssyncset.done $0x0  }
0x15e: {  	[sflag:s13] =	ssyncadd.s32 $0xFFFFF380  }
0x15f: {  	[hbm4b:s5+s2] =	stream.linear.scatter [tilespmem:s14], [sflag:$0x1], $0xA000, $0x38;
	[tilespmem:$0x1F900] =	vst v63  }
0x160: {  	s17 =	sadd.s32 $0x1, s17  }
0x161: {  	[hbm4b:s6+s2] =	stream.linear.scatter [tilespmem:s16], [sflag:$0x2], $0xA000, $0x38;
	[tilespmem:$0x1F900] =	vst v63  }
0x162: {  	p0 =	sne.s32 s17, s7;
	_ =	swait.ge [sflag:s13], $0xA000  }
.Ltmp4:
0x163: {  	[sflag:s13] =	ssyncset.done $0x0;
	(pc) =	sbr.rel @p0 .LBB2_1-.Ltmp4, $4  }
0x164: {  	[sflag:s13] =	ssyncadd.s32 $0xFFFF6000  }
0x165: {  	_ =	swait.ge [sflag:s15], $0xA000  }
0x166: {  	[sflag:s15] =	ssyncset.done $0x0  }
0x167: {  	[sflag:s15] =	ssyncadd.s32 $0xFFFF6000  }
0x168: {  	_ =	sfence.sel $0x180000  }
0x169: {  	[bflag:$0x0] =	sbarrier.arrive $0xFFFF  }
0x16a: {  	p0 =	sne.s32 s1, $0x0;
	_ =	strace $0x90000047  }
0x16b: {  	s0 =	sadd.s32 @!p0 $0x100000, s0;
	[bflag:$0x2] =	sbarrier.arrive $0xFFFF  }
0x16c: {  	[sflag:s0] =	ssyncadd.tile.s32 @!p0 $0x1;
	_ =	shalt  }
.Lfunc_end2:
_tile_overlayer_lowered:
.L_overlay_start_2:
0x16d: {  	(tag) =	ssettag $0x2  }
0x16e: {  	s0 =	rddreg [dreg:$0x0];
	s2 =	stileid.u32  }
0x16f: {  	s1 =	rddreg [dreg:$0x1];
	p0 =	sne.s32 s2, $0x0  }
0x170: {  	s3 =	rddreg [dreg:$0x2];
	[bflag:$0x3] =	sbarrier.arrive $0xFFFF;
	s2 =	simm.s32 @!p0 $0x1C03  }
0x171: {  	[timem:s3], [sflag:s2] =	dma.local @!p0 [hbm:s0], s1  }
0x172: {  	s0 =	simm.s32 @!p0 $0x3  }
0x173: {  	_ =	swait.ge @!p0 [sflag:s0], s1  }
0x174: {  	s1 =	ssub.s32 @!p0 $0x0, s1;
	[sflag:s0] =	ssyncset.done @!p0 $0x0  }
0x175: {  	[sflag:s0] =	ssyncadd.s32 @!p0 s1  }
0x176: {  	[bflag:$0x3] =	sbarrier.arrive $0xFFFF  }
0x177: {  	_ =	shalt  }

</sc_bundles>
